<compile_context>
chip_gen: v7x
topology: tpu7x:2x2x1
jax: 0.10.2.dev20260603
libtpu: 0.0.44.dev20260713+nightly
codegen_flags: <defaults>
</compile_context>

<pallas_src>
import functools

import jax
import jax.numpy as jnp
from jax import lax
from jax.experimental import pallas as pl
from jax.experimental.pallas import tpu as pltpu
from jax.experimental.pallas import tpu_sc as plsc

_SC_CHUNK = 128


def _sin(x):
    ni = jnp.round(x * 0.3183098861837907).astype(jnp.int32)
    n = ni.astype(jnp.float32)
    r = x - n * 3.140625
    r = r - n * 9.676535897932e-4
    r2 = r * r
    p = r * (1.0 + r2 * (-0.16666666666 + r2 * (8.3333333333e-3 + r2 * (
        -1.98412698e-4 + r2 * (2.75573192e-6 + r2 * -2.50521084e-8)))))
    return jnp.where((ni & 1) == 1, -p, p)


def _sc_gather(word_table, ids):
    n = ids.shape[0]
    h = word_table.shape[1]
    info = plsc.get_sparse_core_info()
    nw = info.num_cores * info.num_subcores
    per = n // nw
    ch = min(_SC_CHUNK, per)
    nch = per // ch

    mesh = plsc.VectorSubcoreMesh(core_axis_name="c", subcore_axis_name="s")

    @functools.partial(
        pl.kernel,
        mesh=mesh,
        out_type=jax.ShapeDtypeStruct((n, h), jnp.float32),
        scratch_types=[
            pltpu.VMEM((ch,), jnp.int32),
            pltpu.VMEM((ch, h), jnp.float32),
            pltpu.SemaphoreType.DMA,
        ],
    )
    def gather_kernel(wt_hbm, ids_hbm, out_w, idx_v, rows_v, sem):
        wid = lax.axis_index("s") * info.num_cores + lax.axis_index("c")
        base = wid * per
        for c in range(nch):
            off = base + c * ch
            pltpu.sync_copy(ids_hbm.at[pl.ds(off, ch)], idx_v)
            pltpu.async_copy(wt_hbm.at[idx_v], rows_v, sem).wait()
            pltpu.sync_copy(rows_v, out_w.at[pl.ds(off, ch)])

    return gather_kernel(word_table, ids)


def _tc_body(wt_ref, ts_ref, tsm_ref, age_ref, tt_ref, vs_ref, vo_ref,
             w_ref, tw_ref, tph_ref, aw_ref, aph_ref,
             cat_ref, b_ref, g_ref, bb_ref, o_ref, *,
             ntt, nvs, ncat, eps, h, bpr):
    dnums = (((1,), (1,)), ((), ()))
    acc = lax.dot_general(wt_ref[...].astype(jnp.bfloat16), w_ref[:, :h],
                          dnums, preferred_element_type=jnp.float32)

    ts = ts_ref[...]
    prev = jnp.concatenate([tsm_ref[-1:], ts[:-1]], axis=0)
    delta = ts - prev
    first = lax.broadcasted_iota(jnp.int32, delta.shape, 0) == 0
    at_row_start = pl.program_id(0) % bpr == 0
    delta = jnp.where(jnp.logical_and(at_row_start, first), 0.0, delta)

    arg = jnp.concatenate(
        [delta * tw_ref[...] + tph_ref[...],
         age_ref[...] * aw_ref[...] + aph_ref[...]], axis=1)
    feats = _sin(arg)
    acc = acc + lax.dot_general(feats.astype(jnp.bfloat16), w_ref[:, h:],
                                dnums, preferred_element_type=jnp.float32)
    x = jnp.tanh(acc + b_ref[...])

    iota = lax.broadcasted_iota(jnp.int32, (1, ncat), 1)
    oh = ((tt_ref[...] == iota) | ((vs_ref[...] + ntt) == iota)
          | ((vo_ref[...] + ntt + nvs) == iota)).astype(jnp.bfloat16)
    small = jnp.dot(oh, cat_ref[...], preferred_element_type=jnp.float32)

    emb = x + small
    mean = jnp.mean(emb, axis=1, keepdims=True)
    cen = emb - mean
    var = jnp.mean(cen * cen, axis=1, keepdims=True)
    o_ref[...] = cen * lax.rsqrt(var + eps) * g_ref[...] + bb_ref[...]


def kernel(input_ids, time_stamps, ages, token_type_ids_batch, visit_orders,
           visit_segments, word_table, token_type_table, visit_order_table,
           visit_segment_table, time_w, time_phi, age_w, age_phi, lin_w,
           lin_b, ln_g, ln_b):
    b, s = input_ids.shape
    h = word_table.shape[1]
    t = time_w.shape[1]
    n = b * s
    ntt = token_type_table.shape[0]
    nvs = visit_segment_table.shape[0]
    ncat = ntt + nvs + visit_order_table.shape[0]
    blk = 1024

    ids = input_ids.reshape(-1).astype(jnp.int32)
    wt_rows = _sc_gather(word_table, ids)

    ts = time_stamps.reshape(n, 1)
    ages_r = ages.reshape(n, 1)
    tt = token_type_ids_batch.reshape(n, 1).astype(jnp.int32)
    vs = visit_segments.reshape(n, 1).astype(jnp.int32)
    vo = visit_orders.reshape(n, 1).astype(jnp.int32)

    w_bf = lin_w.astype(jnp.bfloat16)
    cat_table = jnp.concatenate(
        [token_type_table, visit_segment_table,
         visit_order_table], 0).astype(jnp.bfloat16)

    rep = lambda j: (0, 0)
    shared = (w_bf, time_w, time_phi, age_w, age_phi, cat_table,
              lin_b.reshape(1, h), ln_g.reshape(1, h), ln_b.reshape(1, h))
    shared_specs = [
        pl.BlockSpec((h, h + 2 * t), rep),
        pl.BlockSpec((1, t), rep),
        pl.BlockSpec((1, t), rep),
        pl.BlockSpec((1, t), rep),
        pl.BlockSpec((1, t), rep),
        pl.BlockSpec((ncat, h), rep),
        pl.BlockSpec((1, h), rep),
        pl.BlockSpec((1, h), rep),
        pl.BlockSpec((1, h), rep),
    ]

    body = functools.partial(
        _tc_body, ntt=ntt, nvs=nvs, ncat=ncat, eps=1e-12,
        h=h, bpr=s // blk)
    row0 = lambda j: (j, 0)
    rowm = lambda j: (jnp.maximum(j - 1, 0), 0)
    chunk_specs = [
        pl.BlockSpec((blk, h), row0),
        pl.BlockSpec((blk, 1), row0),
        pl.BlockSpec((blk, 1), rowm),
        pl.BlockSpec((blk, 1), row0),
        pl.BlockSpec((blk, 1), row0),
        pl.BlockSpec((blk, 1), row0),
        pl.BlockSpec((blk, 1), row0),
    ]
    out = pl.pallas_call(
        body,
        grid=(n // blk,),
        in_specs=chunk_specs + shared_specs,
        out_specs=pl.BlockSpec((blk, h), row0),
        out_shape=jax.ShapeDtypeStruct((n, h), jnp.float32),
        compiler_params=pltpu.CompilerParams(
            dimension_semantics=("arbitrary",)),
    )(wt_rows, ts, ts, ages_r, tt, vs, vo, *shared)

    return out.reshape(b, s, h)

# --- scband reference (transcript-rebuilt; emitter-appended) ---
"""Pipeline reference for scband-mamba-embeddings-for-cehr-82781199663304 (READ-ONLY COPY).

The authoritative reference and input builder live on the scoring server;
editing this copy changes nothing except your own understanding.
"""

import jax, jax.numpy as jnp
import numpy as np

B, S = 4, 2048
H = 768
T = 32
VOCAB = 100000
TYPE_VOCAB = 9
MAX_VISITS = 512
VISIT_SEG = 3
EPS = 1e-12


def setup_inputs(seed: int = 0) -> dict:
    key = jax.random.key(seed)
    ks = jax.random.split(key, 18)
    inp = {}
    inp["input_ids"] = jax.random.randint(ks[0], (B, S), 0, VOCAB, dtype=jnp.int64 if jax.config.jax_enable_x64 else jnp.int32)
    inp["time_stamps"] = jax.random.uniform(ks[1], (B, S), dtype=jnp.float32)
    inp["ages"] = jax.random.uniform(ks[2], (B, S), dtype=jnp.float32)
    inp["token_type_ids_batch"] = jax.random.randint(ks[3], (B, S), 0, TYPE_VOCAB)
    inp["visit_orders"] = jax.random.randint(ks[4], (B, S), 0, MAX_VISITS)
    inp["visit_segments"] = jax.random.randint(ks[5], (B, S), 0, VISIT_SEG)
    inp["word_table"] = jax.random.normal(ks[6], (VOCAB, H), dtype=jnp.float32) * 0.02
    inp["token_type_table"] = jax.random.normal(ks[7], (TYPE_VOCAB, H), dtype=jnp.float32) * 0.02
    inp["visit_order_table"] = jax.random.normal(ks[8], (MAX_VISITS, H), dtype=jnp.float32) * 0.02
    inp["visit_segment_table"] = jax.random.normal(ks[9], (VISIT_SEG, H), dtype=jnp.float32) * 0.02
    inp["time_w"] = jax.random.normal(ks[10], (1, T), dtype=jnp.float32) * 0.1
    inp["time_phi"] = jax.random.normal(ks[11], (1, T), dtype=jnp.float32) * 0.1
    inp["age_w"] = jax.random.normal(ks[12], (1, T), dtype=jnp.float32) * 0.1
    inp["age_phi"] = jax.random.normal(ks[13], (1, T), dtype=jnp.float32) * 0.1
    inp["lin_w"] = jax.random.normal(ks[14], (H, H + 2 * T), dtype=jnp.float32) * 0.02
    inp["lin_b"] = jnp.zeros((H,), dtype=jnp.float32)
    inp["ln_g"] = jnp.ones((H,), dtype=jnp.float32)
    inp["ln_b"] = jnp.zeros((H,), dtype=jnp.float32)
    return inp


def _time_embedding(ts, w, phi, is_time_delta):
    if is_time_delta:
        ts = jnp.concatenate([ts[:, 0:1] * 0, ts[:, 1:] - ts[:, :-1]], axis=-1)
    ts = ts.astype(jnp.float32)
    nxt = ts[..., None] * w + phi
    return jnp.sin(nxt)


def reference(input_ids, time_stamps, ages, token_type_ids_batch, visit_orders, visit_segments, word_table, token_type_table, visit_order_table, visit_segment_table, time_w, time_phi, age_w, age_phi, lin_w, lin_b, ln_g, ln_b):
    inputs_embeds = jnp.take(word_table, input_ids, axis=0)
    time_stamps_embeds = _time_embedding(time_stamps, time_w, time_phi, True)
    ages_embeds = _time_embedding(ages, age_w, age_phi, False)
    visit_segments_embeds = jnp.take(visit_segment_table, visit_segments, axis=0)
    visit_order_embeds = jnp.take(visit_order_table, visit_orders, axis=0)
    token_type_embeds = jnp.take(token_type_table, token_type_ids_batch, axis=0)
    x = jnp.concatenate([inputs_embeds, time_stamps_embeds, ages_embeds], axis=-1)
    x = jnp.tanh(jnp.dot(x, lin_w.T) + lin_b)
    emb = x + token_type_embeds
    emb = emb + visit_order_embeds
    emb = emb + visit_segments_embeds
    # dropout in eval mode is identity
    mean = jnp.mean(emb, axis=-1, keepdims=True)
    var = jnp.var(emb, axis=-1, keepdims=True)
    out = (emb - mean) / jnp.sqrt(var + EPS) * ln_g + ln_b
    return out


if False:  # reference __main__ guard neutralized (emitter)
    out = reference(**setup_inputs())
    print(out.shape, out.dtype)

if __name__ == "__main__":
    import jax
    _d = setup_inputs()
    print(jax.jit(kernel)(*tuple(_d.values())))

</pallas_src>

<mosaic_0001>
#map = affine_map<(d0, d1) -> (0, 0)>
#map1 = affine_map<(d0, d1) -> (0)>
module attributes {stable_mosaic.version = 14 : i64} {
  func.func @gather_kernel(%arg0: i32, %arg1: i32, %arg2: memref<100000x768xf32, #tpu.memory_space<hbm>>, %arg3: memref<8192xi32, #tpu.memory_space<hbm>>, %arg4: memref<8192x768xf32, #tpu.memory_space<hbm>>, %arg5: memref<128xi32, #tpu.memory_space<vmem>>, %arg6: memref<128x768xf32, #tpu.memory_space<vmem>>, %arg7: memref<!tpu.dma_semaphore, #tpu.memory_space<semaphore_mem>>) attributes {dimension_semantics = [#tpu.dimension_semantics<core_parallel>, #tpu.dimension_semantics<subcore_parallel>], iteration_bounds = array<i64: 2, 16>, scalar_prefetch = 0 : i64, scratch_operands = 3 : i64, tpu.core_type = #tpu.core_type<sc_vector_subcore>, window_params = [{transform_indices = #map}, {transform_indices = #map1}, {transform_indices = #map}]} {
    %mul3A = arith.constant 2 : i32
    %mul3A_0 = arith.muli %arg1, %mul3A : i32
    %add3A = arith.addi %mul3A_0, %arg0 : i32
    %mul3A_1 = arith.constant 256 : i32
    %mul3A_2 = arith.muli %add3A, %mul3A_1 : i32
    %add3A_3 = arith.constant 0 : i32
    %add3A_4 = arith.addi %mul3A_2, %add3A_3 : i32
    "tpu.region"() ({
      %run_scoped3A = tpu.sem_alloc : memref<!tpu.dma_semaphore, #tpu.memory_space<semaphore_mem>>
      %dma_start3A_17 = tpu.memref_slice %arg3[%add3A_4] : memref<8192xi32, #tpu.memory_space<hbm>> -> memref<128xi32, #tpu.memory_space<hbm>>
      %dma_start3A_18 = tpu.memref_slice %arg3[%add3A_4] : memref<8192xi32, #tpu.memory_space<hbm>> -> memref<128xi32, #tpu.memory_space<hbm>>
      tpu.enqueue_dma source(%dma_start3A_18 : memref<128xi32, #tpu.memory_space<hbm>>) target(%arg5 : memref<128xi32, #tpu.memory_space<vmem>>) target_semaphore(%run_scoped3A : memref<!tpu.dma_semaphore, #tpu.memory_space<semaphore_mem>>)
      %dma_wait3A_19 = tpu.memref_slice %arg3[%add3A_4] : memref<8192xi32, #tpu.memory_space<hbm>> -> memref<128xi32, #tpu.memory_space<hbm>>
      %dma_wait3A_20 = tpu.memref_slice %arg3[%add3A_4] : memref<8192xi32, #tpu.memory_space<hbm>> -> memref<128xi32, #tpu.memory_space<hbm>>
      tpu.wait_dma2 semaphore(%run_scoped3A : memref<!tpu.dma_semaphore, #tpu.memory_space<semaphore_mem>>) src(%dma_wait3A_20 : memref<128xi32, #tpu.memory_space<hbm>>) dst(%arg5 : memref<128xi32, #tpu.memory_space<vmem>>)
      tpu.yield
    }) : () -> ()
    %dma_start3A = arith.constant 0 : i32
    %dma_start3A_5 = arith.constant 0 : i32
    %dma_start3A_6 = tpu.memref_slice %arg2[%dma_start3A, %dma_start3A_5] : memref<100000x768xf32, #tpu.memory_space<hbm>> -> memref<100000x768xf32, #tpu.memory_space<hbm>>
    tpu.enqueue_indirect_dma source(%dma_start3A_6 : memref<100000x768xf32, #tpu.memory_space<hbm>>) target(%arg6 : memref<128x768xf32, #tpu.memory_space<vmem>>) offsets(%arg5 : memref<128xi32, #tpu.memory_space<vmem>>) semaphore(%arg7 : memref<!tpu.dma_semaphore, #tpu.memory_space<semaphore_mem>>)
    %dma_wait3A = arith.constant 0 : i32
    %dma_wait3A_7 = arith.constant 0 : i32
    %dma_wait3A_8 = tpu.memref_slice %arg2[%dma_wait3A, %dma_wait3A_7] : memref<100000x768xf32, #tpu.memory_space<hbm>> -> memref<100000x768xf32, #tpu.memory_space<hbm>>
    tpu.wait_indirect_dma semaphore(%arg7 : memref<!tpu.dma_semaphore, #tpu.memory_space<semaphore_mem>>) src(%dma_wait3A_8 : memref<100000x768xf32, #tpu.memory_space<hbm>>) dst(%arg6 : memref<128x768xf32, #tpu.memory_space<vmem>>)
    "tpu.region"() ({
      %run_scoped3A = tpu.sem_alloc : memref<!tpu.dma_semaphore, #tpu.memory_space<semaphore_mem>>
      %dma_start3A_17 = arith.constant 0 : i32
      %dma_start3A_18 = tpu.memref_slice %arg4[%add3A_4, %dma_start3A_17] : memref<8192x768xf32, #tpu.memory_space<hbm>> -> memref<128x768xf32, #tpu.memory_space<hbm>>
      %dma_start3A_19 = arith.constant 0 : i32
      %dma_start3A_20 = tpu.memref_slice %arg4[%add3A_4, %dma_start3A_19] : memref<8192x768xf32, #tpu.memory_space<hbm>> -> memref<128x768xf32, #tpu.memory_space<hbm>>
      tpu.enqueue_dma source(%arg6 : memref<128x768xf32, #tpu.memory_space<vmem>>) target(%dma_start3A_20 : memref<128x768xf32, #tpu.memory_space<hbm>>) target_semaphore(%run_scoped3A : memref<!tpu.dma_semaphore, #tpu.memory_space<semaphore_mem>>)
      %dma_wait3A_21 = arith.constant 0 : i32
      %dma_wait3A_22 = tpu.memref_slice %arg4[%add3A_4, %dma_wait3A_21] : memref<8192x768xf32, #tpu.memory_space<hbm>> -> memref<128x768xf32, #tpu.memory_space<hbm>>
      %dma_wait3A_23 = arith.constant 0 : i32
      %dma_wait3A_24 = tpu.memref_slice %arg4[%add3A_4, %dma_wait3A_23] : memref<8192x768xf32, #tpu.memory_space<hbm>> -> memref<128x768xf32, #tpu.memory_space<hbm>>
      tpu.wait_dma2 semaphore(%run_scoped3A : memref<!tpu.dma_semaphore, #tpu.memory_space<semaphore_mem>>) src(%arg6 : memref<128x768xf32, #tpu.memory_space<vmem>>) dst(%dma_wait3A_24 : memref<128x768xf32, #tpu.memory_space<hbm>>)
      tpu.yield
    }) : () -> ()
    %add3A_9 = arith.constant 128 : i32
    %add3A_10 = arith.addi %mul3A_2, %add3A_9 : i32
    "tpu.region"() ({
      %run_scoped3A = tpu.sem_alloc : memref<!tpu.dma_semaphore, #tpu.memory_space<semaphore_mem>>
      %dma_start3A_17 = tpu.memref_slice %arg3[%add3A_10] : memref<8192xi32, #tpu.memory_space<hbm>> -> memref<128xi32, #tpu.memory_space<hbm>>
      %dma_start3A_18 = tpu.memref_slice %arg3[%add3A_10] : memref<8192xi32, #tpu.memory_space<hbm>> -> memref<128xi32, #tpu.memory_space<hbm>>
      tpu.enqueue_dma source(%dma_start3A_18 : memref<128xi32, #tpu.memory_space<hbm>>) target(%arg5 : memref<128xi32, #tpu.memory_space<vmem>>) target_semaphore(%run_scoped3A : memref<!tpu.dma_semaphore, #tpu.memory_space<semaphore_mem>>)
      %dma_wait3A_19 = tpu.memref_slice %arg3[%add3A_10] : memref<8192xi32, #tpu.memory_space<hbm>> -> memref<128xi32, #tpu.memory_space<hbm>>
      %dma_wait3A_20 = tpu.memref_slice %arg3[%add3A_10] : memref<8192xi32, #tpu.memory_space<hbm>> -> memref<128xi32, #tpu.memory_space<hbm>>
      tpu.wait_dma2 semaphore(%run_scoped3A : memref<!tpu.dma_semaphore, #tpu.memory_space<semaphore_mem>>) src(%dma_wait3A_20 : memref<128xi32, #tpu.memory_space<hbm>>) dst(%arg5 : memref<128xi32, #tpu.memory_space<vmem>>)
      tpu.yield
    }) : () -> ()
    %dma_start3A_11 = arith.constant 0 : i32
    %dma_start3A_12 = arith.constant 0 : i32
    %dma_start3A_13 = tpu.memref_slice %arg2[%dma_start3A_11, %dma_start3A_12] : memref<100000x768xf32, #tpu.memory_space<hbm>> -> memref<100000x768xf32, #tpu.memory_space<hbm>>
    tpu.enqueue_indirect_dma source(%dma_start3A_13 : memref<100000x768xf32, #tpu.memory_space<hbm>>) target(%arg6 : memref<128x768xf32, #tpu.memory_space<vmem>>) offsets(%arg5 : memref<128xi32, #tpu.memory_space<vmem>>) semaphore(%arg7 : memref<!tpu.dma_semaphore, #tpu.memory_space<semaphore_mem>>)
    %dma_wait3A_14 = arith.constant 0 : i32
    %dma_wait3A_15 = arith.constant 0 : i32
    %dma_wait3A_16 = tpu.memref_slice %arg2[%dma_wait3A_14, %dma_wait3A_15] : memref<100000x768xf32, #tpu.memory_space<hbm>> -> memref<100000x768xf32, #tpu.memory_space<hbm>>
    tpu.wait_indirect_dma semaphore(%arg7 : memref<!tpu.dma_semaphore, #tpu.memory_space<semaphore_mem>>) src(%dma_wait3A_16 : memref<100000x768xf32, #tpu.memory_space<hbm>>) dst(%arg6 : memref<128x768xf32, #tpu.memory_space<vmem>>)
    "tpu.region"() ({
      %run_scoped3A = tpu.sem_alloc : memref<!tpu.dma_semaphore, #tpu.memory_space<semaphore_mem>>
      %dma_start3A_17 = arith.constant 0 : i32
      %dma_start3A_18 = tpu.memref_slice %arg4[%add3A_10, %dma_start3A_17] : memref<8192x768xf32, #tpu.memory_space<hbm>> -> memref<128x768xf32, #tpu.memory_space<hbm>>
      %dma_start3A_19 = arith.constant 0 : i32
      %dma_start3A_20 = tpu.memref_slice %arg4[%add3A_10, %dma_start3A_19] : memref<8192x768xf32, #tpu.memory_space<hbm>> -> memref<128x768xf32, #tpu.memory_space<hbm>>
      tpu.enqueue_dma source(%arg6 : memref<128x768xf32, #tpu.memory_space<vmem>>) target(%dma_start3A_20 : memref<128x768xf32, #tpu.memory_space<hbm>>) target_semaphore(%run_scoped3A : memref<!tpu.dma_semaphore, #tpu.memory_space<semaphore_mem>>)
      %dma_wait3A_21 = arith.constant 0 : i32
      %dma_wait3A_22 = tpu.memref_slice %arg4[%add3A_10, %dma_wait3A_21] : memref<8192x768xf32, #tpu.memory_space<hbm>> -> memref<128x768xf32, #tpu.memory_space<hbm>>
      %dma_wait3A_23 = arith.constant 0 : i32
      %dma_wait3A_24 = tpu.memref_slice %arg4[%add3A_10, %dma_wait3A_23] : memref<8192x768xf32, #tpu.memory_space<hbm>> -> memref<128x768xf32, #tpu.memory_space<hbm>>
      tpu.wait_dma2 semaphore(%run_scoped3A : memref<!tpu.dma_semaphore, #tpu.memory_space<semaphore_mem>>) src(%arg6 : memref<128x768xf32, #tpu.memory_space<vmem>>) dst(%dma_wait3A_24 : memref<128x768xf32, #tpu.memory_space<hbm>>)
      tpu.yield
    }) : () -> ()
    return
  }
}

module attributes {stable_mosaic.version = 14 : i64} {
  func.func @_tc_body(%arg0: i32, %arg1: memref<1024x768xf32, #tpu.memory_space<vmem>>, %arg2: memref<1024x1xf32, #tpu.memory_space<vmem>>, %arg3: memref<1024x1xf32, #tpu.memory_space<vmem>>, %arg4: memref<1024x1xf32, #tpu.memory_space<vmem>>, %arg5: memref<1024x1xi32, #tpu.memory_space<vmem>>, %arg6: memref<1024x1xi32, #tpu.memory_space<vmem>>, %arg7: memref<1024x1xi32, #tpu.memory_space<vmem>>, %arg8: memref<768x832xbf16, #tpu.memory_space<vmem>>, %arg9: memref<1x32xf32, #tpu.memory_space<vmem>>, %arg10: memref<1x32xf32, #tpu.memory_space<vmem>>, %arg11: memref<1x32xf32, #tpu.memory_space<vmem>>, %arg12: memref<1x32xf32, #tpu.memory_space<vmem>>, %arg13: memref<524x768xbf16, #tpu.memory_space<vmem>>, %arg14: memref<1x768xf32, #tpu.memory_space<vmem>>, %arg15: memref<1x768xf32, #tpu.memory_space<vmem>>, %arg16: memref<1x768xf32, #tpu.memory_space<vmem>>, %arg17: memref<1024x768xf32, #tpu.memory_space<vmem>>) attributes {dimension_semantics = [#tpu.dimension_semantics<arbitrary>], iteration_bounds = array<i64: 8>, scalar_prefetch = 0 : i64, scratch_operands = 0 : i64, tpu.core_type = #tpu.core_type<tc>, window_params = [{transform_indices = @transform_0, window_bounds = array<i64: 1024, 768>}, {transform_indices = @transform_1, window_bounds = array<i64: 1024, 1>}, {transform_indices = @transform_2, window_bounds = array<i64: 1024, 1>}, {transform_indices = @transform_3, window_bounds = array<i64: 1024, 1>}, {transform_indices = @transform_4, window_bounds = array<i64: 1024, 1>}, {transform_indices = @transform_5, window_bounds = array<i64: 1024, 1>}, {transform_indices = @transform_6, window_bounds = array<i64: 1024, 1>}, {pipeline_mode = #tpu.pipeline_mode<synchronous>, transform_indices = @transform_7, window_bounds = array<i64: 768, 832>}, {pipeline_mode = #tpu.pipeline_mode<synchronous>, transform_indices = @transform_8, window_bounds = array<i64: 1, 32>}, {pipeline_mode = #tpu.pipeline_mode<synchronous>, transform_indices = @transform_9, window_bounds = array<i64: 1, 32>}, {pipeline_mode = #tpu.pipeline_mode<synchronous>, transform_indices = @transform_10, window_bounds = array<i64: 1, 32>}, {pipeline_mode = #tpu.pipeline_mode<synchronous>, transform_indices = @transform_11, window_bounds = array<i64: 1, 32>}, {pipeline_mode = #tpu.pipeline_mode<synchronous>, transform_indices = @transform_12, window_bounds = array<i64: 524, 768>}, {pipeline_mode = #tpu.pipeline_mode<synchronous>, transform_indices = @transform_13, window_bounds = array<i64: 1, 768>}, {pipeline_mode = #tpu.pipeline_mode<synchronous>, transform_indices = @transform_14, window_bounds = array<i64: 1, 768>}, {pipeline_mode = #tpu.pipeline_mode<synchronous>, transform_indices = @transform_15, window_bounds = array<i64: 1, 768>}, {transform_indices = @transform_16, window_bounds = array<i64: 1024, 768>}]} {
    %get3A = arith.constant 0 : index
    %get3A_0 = arith.constant 0 : index
    %get3A_1 = vector.load %arg1[%get3A, %get3A_0] : memref<1024x768xf32, #tpu.memory_space<vmem>>, vector<1024x768xf32>
    %convert_element_type3A = arith.truncf %get3A_1 : vector<1024x768xf32> to vector<1024x768xbf16>
    %get3A_2 = arith.constant 0 : index
    %get3A_3 = arith.constant 0 : index
    %get3A_4 = vector.load %arg8[%get3A_2, %get3A_3] : memref<768x832xbf16, #tpu.memory_space<vmem>>, vector<768x768xbf16>
    %dot_general3A = arith.constant dense<0.000000e+00> : vector<1024x768xf32>
    %dot_general3A_5 = tpu.matmul %convert_element_type3A, %get3A_4, %dot_general3A {dimension_numbers = #tpu.dot_dimension_numbers<[1], [1], [0], [0], [0, 0, 1, 0], [], []>, transpose_lhs_hint = false} : vector<1024x768xbf16>, vector<768x768xbf16>, vector<1024x768xf32> -> vector<1024x768xf32>
    %get3A_6 = arith.constant 0 : index
    %get3A_7 = arith.constant 0 : index
    %get3A_8 = vector.load %arg2[%get3A_6, %get3A_7] : memref<1024x1xf32, #tpu.memory_space<vmem>>, vector<1024x1xf32>
    %get3A_9 = arith.constant 1023 : index
    %get3A_10 = arith.constant 0 : index
    %get3A_11 = vector.load %arg3[%get3A_9, %get3A_10] : memref<1024x1xf32, #tpu.memory_space<vmem>>, vector<1x1xf32>
    %slice3A = vector.extract_strided_slice %get3A_8 {offsets = [0, 0], sizes = [1023, 1], strides = [1, 1]} : vector<1024x1xf32> to vector<1023x1xf32>
    %concatenate3A = tpu.concatenate %get3A_11, %slice3A in 0 : vector<1x1xf32>, vector<1023x1xf32> -> vector<1024x1xf32>
    %sub3A = arith.subf %get3A_8, %concatenate3A : vector<1024x1xf32>
    %iota3A = tpu.iota {dimensions = array<i32: 0>} : vector<1024x1xi32>
    %eq3A = arith.constant 0 : i32
    %eq3A_12 = vector.broadcast %eq3A : i32 to vector<1024x1xi32>
    %eq3A_13 = arith.cmpi eq, %iota3A, %eq3A_12 : vector<1024x1xi32>
    %jit3A = arith.constant 2 : i32
    %eq3A_14 = arith.constant 0 : i32
    %eq3A_15 = arith.cmpi eq, %jit3A, %eq3A_14 : i32
    %jit3A_16 = arith.constant 1 : i32
    %select_n3A = arith.select %eq3A_15, %jit3A_16, %jit3A : i32
    %rem3A = arith.remsi %arg0, %select_n3A : i32
    %ne3A = arith.constant 0 : i32
    %ne3A_17 = arith.cmpi ne, %rem3A, %ne3A : i32
    %lt3A = arith.constant 0 : i32
    %lt3A_18 = arith.cmpi slt, %rem3A, %lt3A : i32
    %lt3A_19 = arith.constant 0 : i32
    %lt3A_20 = arith.cmpi slt, %select_n3A, %lt3A_19 : i32
    %ne3A_21 = arith.xori %lt3A_18, %lt3A_20 : i1
    %and3A = arith.andi %ne3A_21, %ne3A_17 : i1
    %add3A = arith.addi %rem3A, %select_n3A : i32
    %select_n3A_22 = arith.select %and3A, %add3A, %rem3A : i32
    %eq3A_23 = arith.constant 0 : i32
    %eq3A_24 = arith.cmpi eq, %select_n3A_22, %eq3A_23 : i32
    %and3A_25 = vector.broadcast %eq3A_24 : i1 to vector<1024x1xi1>
    %and3A_26 = arith.andi %and3A_25, %eq3A_13 : vector<1024x1xi1>
    %jit3A_27 = arith.constant 0.000000e+00 : f32
    %broadcast_in_dim3A = vector.broadcast %jit3A_27 : f32 to vector<1024x1xf32>
    %select_n3A_28 = arith.select %and3A_26, %broadcast_in_dim3A, %sub3A : vector<1024x1xi1>, vector<1024x1xf32>
    %get3A_29 = arith.constant 0 : index
    %get3A_30 = arith.constant 0 : index
    %get3A_31 = vector.load %arg9[%get3A_29, %get3A_30] : memref<1x32xf32, #tpu.memory_space<vmem>>, vector<1x32xf32>
    %mul3A = vector.broadcast %select_n3A_28 : vector<1024x1xf32> to vector<1024x32xf32>
    %mul3A_32 = vector.broadcast %get3A_31 : vector<1x32xf32> to vector<1024x32xf32>
    %mul3A_33 = arith.mulf %mul3A, %mul3A_32 : vector<1024x32xf32>
    %get3A_34 = arith.constant 0 : index
    %get3A_35 = arith.constant 0 : index
    %get3A_36 = vector.load %arg10[%get3A_34, %get3A_35] : memref<1x32xf32, #tpu.memory_space<vmem>>, vector<1x32xf32>
    %add3A_37 = vector.broadcast %get3A_36 : vector<1x32xf32> to vector<1024x32xf32>
    %add3A_38 = arith.addf %mul3A_33, %add3A_37 : vector<1024x32xf32>
    %get3A_39 = arith.constant 0 : index
    %get3A_40 = arith.constant 0 : index
    %get3A_41 = vector.load %arg4[%get3A_39, %get3A_40] : memref<1024x1xf32, #tpu.memory_space<vmem>>, vector<1024x1xf32>
    %get3A_42 = arith.constant 0 : index
    %get3A_43 = arith.constant 0 : index
    %get3A_44 = vector.load %arg11[%get3A_42, %get3A_43] : memref<1x32xf32, #tpu.memory_space<vmem>>, vector<1x32xf32>
    %mul3A_45 = vector.broadcast %get3A_41 : vector<1024x1xf32> to vector<1024x32xf32>
    %mul3A_46 = vector.broadcast %get3A_44 : vector<1x32xf32> to vector<1024x32xf32>
    %mul3A_47 = arith.mulf %mul3A_45, %mul3A_46 : vector<1024x32xf32>
    %get3A_48 = arith.constant 0 : index
    %get3A_49 = arith.constant 0 : index
    %get3A_50 = vector.load %arg12[%get3A_48, %get3A_49] : memref<1x32xf32, #tpu.memory_space<vmem>>, vector<1x32xf32>
    %add3A_51 = vector.broadcast %get3A_50 : vector<1x32xf32> to vector<1024x32xf32>
    %add3A_52 = arith.addf %mul3A_47, %add3A_51 : vector<1024x32xf32>
    %concatenate3A_53 = tpu.concatenate %add3A_38, %add3A_52 in 1 : vector<1024x32xf32>, vector<1024x32xf32> -> vector<1024x64xf32>
    %mul3A_54 = arith.constant 0.318309873 : f32
    %mul3A_55 = vector.broadcast %mul3A_54 : f32 to vector<1024x64xf32>
    %mul3A_56 = arith.mulf %concatenate3A_53, %mul3A_55 : vector<1024x64xf32>
    %round3A = math.roundeven %mul3A_56 : vector<1024x64xf32>
    %convert_element_type3A_57 = arith.fptosi %round3A : vector<1024x64xf32> to vector<1024x64xi32>
    %convert_element_type3A_58 = arith.sitofp %convert_element_type3A_57 : vector<1024x64xi32> to vector<1024x64xf32>
    %mul3A_59 = arith.constant 3.140625 : f32
    %mul3A_60 = vector.broadcast %mul3A_59 : f32 to vector<1024x64xf32>
    %mul3A_61 = arith.mulf %convert_element_type3A_58, %mul3A_60 : vector<1024x64xf32>
    %sub3A_62 = arith.subf %concatenate3A_53, %mul3A_61 : vector<1024x64xf32>
    %mul3A_63 = arith.constant 9.67653584E-4 : f32
    %mul3A_64 = vector.broadcast %mul3A_63 : f32 to vector<1024x64xf32>
    %mul3A_65 = arith.mulf %convert_element_type3A_58, %mul3A_64 : vector<1024x64xf32>
    %sub3A_66 = arith.subf %sub3A_62, %mul3A_65 : vector<1024x64xf32>
    %mul3A_67 = arith.mulf %sub3A_66, %sub3A_66 : vector<1024x64xf32>
    %mul3A_68 = arith.constant -2.50521079E-8 : f32
    %mul3A_69 = vector.broadcast %mul3A_68 : f32 to vector<1024x64xf32>
    %mul3A_70 = arith.mulf %mul3A_67, %mul3A_69 : vector<1024x64xf32>
    %add3A_71 = arith.constant 2.75573188E-6 : f32
    %add3A_72 = vector.broadcast %add3A_71 : f32 to vector<1024x64xf32>
    %add3A_73 = arith.addf %add3A_72, %mul3A_70 : vector<1024x64xf32>
    %mul3A_74 = arith.mulf %mul3A_67, %add3A_73 : vector<1024x64xf32>
    %add3A_75 = arith.constant -1.98412701E-4 : f32
    %add3A_76 = vector.broadcast %add3A_75 : f32 to vector<1024x64xf32>
    %add3A_77 = arith.addf %add3A_76, %mul3A_74 : vector<1024x64xf32>
    %mul3A_78 = arith.mulf %mul3A_67, %add3A_77 : vector<1024x64xf32>
    %add3A_79 = arith.constant 0.00833333377 : f32
    %add3A_80 = vector.broadcast %add3A_79 : f32 to vector<1024x64xf32>
    %add3A_81 = arith.addf %add3A_80, %mul3A_78 : vector<1024x64xf32>
    %mul3A_82 = arith.mulf %mul3A_67, %add3A_81 : vector<1024x64xf32>
    %add3A_83 = arith.constant -0.166666672 : f32
    %add3A_84 = vector.broadcast %add3A_83 : f32 to vector<1024x64xf32>
    %add3A_85 = arith.addf %add3A_84, %mul3A_82 : vector<1024x64xf32>
    %mul3A_86 = arith.mulf %mul3A_67, %add3A_85 : vector<1024x64xf32>
    %add3A_87 = arith.constant 1.000000e+00 : f32
    %add3A_88 = vector.broadcast %add3A_87 : f32 to vector<1024x64xf32>
    %add3A_89 = arith.addf %add3A_88, %mul3A_86 : vector<1024x64xf32>
    %mul3A_90 = arith.mulf %sub3A_66, %add3A_89 : vector<1024x64xf32>
    %and3A_91 = arith.constant 1 : i32
    %and3A_92 = vector.broadcast %and3A_91 : i32 to vector<1024x64xi32>
    %and3A_93 = arith.andi %convert_element_type3A_57, %and3A_92 : vector<1024x64xi32>
    %eq3A_94 = arith.constant 1 : i32
    %eq3A_95 = vector.broadcast %eq3A_94 : i32 to vector<1024x64xi32>
    %eq3A_96 = arith.cmpi eq, %and3A_93, %eq3A_95 : vector<1024x64xi32>
    %neg3A = arith.constant 0.000000e+00 : f32
    %neg3A_97 = vector.broadcast %neg3A : f32 to vector<1024x64xf32>
    %neg3A_98 = arith.subf %neg3A_97, %mul3A_90 : vector<1024x64xf32>
    %select_n3A_99 = arith.select %eq3A_96, %neg3A_98, %mul3A_90 : vector<1024x64xi1>, vector<1024x64xf32>
    %convert_element_type3A_100 = arith.truncf %select_n3A_99 : vector<1024x64xf32> to vector<1024x64xbf16>
    %get3A_101 = arith.constant 0 : index
    %get3A_102 = arith.constant 768 : index
    %get3A_103 = vector.load %arg8[%get3A_101, %get3A_102] : memref<768x832xbf16, #tpu.memory_space<vmem>>, vector<768x64xbf16>
    %dot_general3A_104 = arith.constant dense<0.000000e+00> : vector<1024x768xf32>
    %dot_general3A_105 = tpu.matmul %convert_element_type3A_100, %get3A_103, %dot_general3A_104 {dimension_numbers = #tpu.dot_dimension_numbers<[1], [1], [0], [0], [0, 0, 1, 0], [], []>, transpose_lhs_hint = false} : vector<1024x64xbf16>, vector<768x64xbf16>, vector<1024x768xf32> -> vector<1024x768xf32>
    %add3A_106 = arith.addf %dot_general3A_5, %dot_general3A_105 : vector<1024x768xf32>
    %get3A_107 = arith.constant 0 : index
    %get3A_108 = arith.constant 0 : index
    %get3A_109 = vector.load %arg14[%get3A_107, %get3A_108] : memref<1x768xf32, #tpu.memory_space<vmem>>, vector<1x768xf32>
    %add3A_110 = vector.broadcast %get3A_109 : vector<1x768xf32> to vector<1024x768xf32>
    %add3A_111 = arith.addf %add3A_106, %add3A_110 : vector<1024x768xf32>
    %tanh3A = math.tanh %add3A_111 : vector<1024x768xf32>
    %iota3A_112 = tpu.iota {dimensions = array<i32: 1>} : vector<1x524xi32>
    %get3A_113 = arith.constant 0 : index
    %get3A_114 = arith.constant 0 : index
    %get3A_115 = vector.load %arg5[%get3A_113, %get3A_114] : memref<1024x1xi32, #tpu.memory_space<vmem>>, vector<1024x1xi32>
    %eq3A_116 = vector.broadcast %get3A_115 : vector<1024x1xi32> to vector<1024x524xi32>
    %eq3A_117 = vector.broadcast %iota3A_112 : vector<1x524xi32> to vector<1024x524xi32>
    %eq3A_118 = arith.cmpi eq, %eq3A_116, %eq3A_117 : vector<1024x524xi32>
    %get3A_119 = arith.constant 0 : index
    %get3A_120 = arith.constant 0 : index
    %get3A_121 = vector.load %arg6[%get3A_119, %get3A_120] : memref<1024x1xi32, #tpu.memory_space<vmem>>, vector<1024x1xi32>
    %add3A_122 = arith.constant 9 : i32
    %add3A_123 = vector.broadcast %add3A_122 : i32 to vector<1024x1xi32>
    %add3A_124 = arith.addi %get3A_121, %add3A_123 : vector<1024x1xi32>
    %eq3A_125 = vector.broadcast %add3A_124 : vector<1024x1xi32> to vector<1024x524xi32>
    %eq3A_126 = vector.broadcast %iota3A_112 : vector<1x524xi32> to vector<1024x524xi32>
    %eq3A_127 = arith.cmpi eq, %eq3A_125, %eq3A_126 : vector<1024x524xi32>
    %or3A = arith.ori %eq3A_118, %eq3A_127 : vector<1024x524xi1>
    %get3A_128 = arith.constant 0 : index
    %get3A_129 = arith.constant 0 : index
    %get3A_130 = vector.load %arg7[%get3A_128, %get3A_129] : memref<1024x1xi32, #tpu.memory_space<vmem>>, vector<1024x1xi32>
    %add3A_131 = arith.constant 9 : i32
    %add3A_132 = vector.broadcast %add3A_131 : i32 to vector<1024x1xi32>
    %add3A_133 = arith.addi %get3A_130, %add3A_132 : vector<1024x1xi32>
    %add3A_134 = arith.constant 3 : i32
    %add3A_135 = vector.broadcast %add3A_134 : i32 to vector<1024x1xi32>
    %add3A_136 = arith.addi %add3A_133, %add3A_135 : vector<1024x1xi32>
    %eq3A_137 = vector.broadcast %add3A_136 : vector<1024x1xi32> to vector<1024x524xi32>
    %eq3A_138 = vector.broadcast %iota3A_112 : vector<1x524xi32> to vector<1024x524xi32>
    %eq3A_139 = arith.cmpi eq, %eq3A_137, %eq3A_138 : vector<1024x524xi32>
    %or3A_140 = arith.ori %or3A, %eq3A_139 : vector<1024x524xi1>
    %convert_element_type3A_141 = arith.extui %or3A_140 : vector<1024x524xi1> to vector<1024x524xi32>
    %convert_element_type3A_142 = arith.sitofp %convert_element_type3A_141 : vector<1024x524xi32> to vector<1024x524xf32>
    %convert_element_type3A_143 = arith.truncf %convert_element_type3A_142 : vector<1024x524xf32> to vector<1024x524xbf16>
    %get3A_144 = arith.constant 0 : index
    %get3A_145 = arith.constant 0 : index
    %get3A_146 = vector.load %arg13[%get3A_144, %get3A_145] : memref<524x768xbf16, #tpu.memory_space<vmem>>, vector<524x768xbf16>
    %dot_general3A_147 = arith.constant dense<0.000000e+00> : vector<1024x768xf32>
    %dot_general3A_148 = tpu.matmul %convert_element_type3A_143, %get3A_146, %dot_general3A_147 {dimension_numbers = #tpu.dot_dimension_numbers<[1], [0], [0], [1], [0, 0, 1, 1], [], []>, transpose_lhs_hint = false} : vector<1024x524xbf16>, vector<524x768xbf16>, vector<1024x768xf32> -> vector<1024x768xf32>
    %add3A_149 = arith.addf %tanh3A, %dot_general3A_148 : vector<1024x768xf32>
    %reduce_sum3A = arith.constant dense<0.000000e+00> : vector<1024xf32>
    %reduce_sum3A_150 = vector.multi_reduction <add>, %add3A_149, %reduce_sum3A [1] : vector<1024x768xf32> to vector<1024xf32>
    %broadcast_in_dim3A_151 = vector.shape_cast %reduce_sum3A_150 : vector<1024xf32> to vector<1024x1xf32>
    %div3A = arith.constant 7.680000e+02 : f32
    %div3A_152 = vector.broadcast %div3A : f32 to vector<1024x1xf32>
    %div3A_153 = arith.divf %broadcast_in_dim3A_151, %div3A_152 : vector<1024x1xf32>
    %sub3A_154 = vector.broadcast %div3A_153 : vector<1024x1xf32> to vector<1024x768xf32>
    %sub3A_155 = arith.subf %add3A_149, %sub3A_154 : vector<1024x768xf32>
    %mul3A_156 = arith.mulf %sub3A_155, %sub3A_155 : vector<1024x768xf32>
    %reduce_sum3A_157 = arith.constant dense<0.000000e+00> : vector<1024xf32>
    %reduce_sum3A_158 = vector.multi_reduction <add>, %mul3A_156, %reduce_sum3A_157 [1] : vector<1024x768xf32> to vector<1024xf32>
    %broadcast_in_dim3A_159 = vector.shape_cast %reduce_sum3A_158 : vector<1024xf32> to vector<1024x1xf32>
    %div3A_160 = arith.constant 7.680000e+02 : f32
    %div3A_161 = vector.broadcast %div3A_160 : f32 to vector<1024x1xf32>
    %div3A_162 = arith.divf %broadcast_in_dim3A_159, %div3A_161 : vector<1024x1xf32>
    %add3A_163 = arith.constant 9.99999996E-13 : f32
    %add3A_164 = vector.broadcast %add3A_163 : f32 to vector<1024x1xf32>
    %add3A_165 = arith.addf %div3A_162, %add3A_164 : vector<1024x1xf32>
    %rsqrt3A = math.rsqrt %add3A_165 : vector<1024x1xf32>
    %mul3A_166 = vector.broadcast %rsqrt3A : vector<1024x1xf32> to vector<1024x768xf32>
    %mul3A_167 = arith.mulf %sub3A_155, %mul3A_166 : vector<1024x768xf32>
    %get3A_168 = arith.constant 0 : index
    %get3A_169 = arith.constant 0 : index
    %get3A_170 = vector.load %arg15[%get3A_168, %get3A_169] : memref<1x768xf32, #tpu.memory_space<vmem>>, vector<1x768xf32>
    %mul3A_171 = vector.broadcast %get3A_170 : vector<1x768xf32> to vector<1024x768xf32>
    %mul3A_172 = arith.mulf %mul3A_167, %mul3A_171 : vector<1024x768xf32>
    %get3A_173 = arith.constant 0 : index
    %get3A_174 = arith.constant 0 : index
    %get3A_175 = vector.load %arg16[%get3A_173, %get3A_174] : memref<1x768xf32, #tpu.memory_space<vmem>>, vector<1x768xf32>
    %add3A_176 = vector.broadcast %get3A_175 : vector<1x768xf32> to vector<1024x768xf32>
    %add3A_177 = arith.addf %mul3A_172, %add3A_176 : vector<1024x768xf32>
    %swap3A = arith.constant 0 : index
    %swap3A_178 = arith.constant 0 : index
    %swap3A_179 = vector.load %arg17[%swap3A, %swap3A_178] : memref<1024x768xf32, #tpu.memory_space<vmem>>, vector<1024x768xf32>
    tpu.vector_store %arg17[%swap3A, %swap3A_178], %add3A_177 {strides = array<i32>} : memref<1024x768xf32, #tpu.memory_space<vmem>>, vector<1024x768xf32>,
    return
  }
  func.func @transform_0(%arg0: i32) -> (i32, i32) {
    %c0_i32 = arith.constant 0 : i32
    %c0_i32_0 = arith.constant 0 : i32
    return %arg0, %c0_i32 : i32, i32
  }
  func.func @transform_1(%arg0: i32) -> (i32, i32) {
    %c0_i32 = arith.constant 0 : i32
    %c0_i32_0 = arith.constant 0 : i32
    return %arg0, %c0_i32 : i32, i32
  }
  func.func @transform_2(%arg0: i32) -> (i32, i32) {
    %sub3A = arith.constant 1 : i32
    %sub3A_0 = arith.subi %arg0, %sub3A : i32
    %max3A = arith.constant 0 : i32
    %max3A_1 = arith.maxsi %sub3A_0, %max3A : i32
    %c0_i32 = arith.constant 0 : i32
    %c0_i32_2 = arith.constant 0 : i32
    return %max3A_1, %c0_i32 : i32, i32
  }
  func.func @transform_3(%arg0: i32) -> (i32, i32) {
    %c0_i32 = arith.constant 0 : i32
    %c0_i32_0 = arith.constant 0 : i32
    return %arg0, %c0_i32 : i32, i32
  }
  func.func @transform_4(%arg0: i32) -> (i32, i32) {
    %c0_i32 = arith.constant 0 : i32
    %c0_i32_0 = arith.constant 0 : i32
    return %arg0, %c0_i32 : i32, i32
  }
  func.func @transform_5(%arg0: i32) -> (i32, i32) {
    %c0_i32 = arith.constant 0 : i32
    %c0_i32_0 = arith.constant 0 : i32
    return %arg0, %c0_i32 : i32, i32
  }
  func.func @transform_6(%arg0: i32) -> (i32, i32) {
    %c0_i32 = arith.constant 0 : i32
    %c0_i32_0 = arith.constant 0 : i32
    return %arg0, %c0_i32 : i32, i32
  }
  func.func @transform_7(%arg0: i32) -> (i32, i32) {
    %c0_i32 = arith.constant 0 : i32
    %c0_i32_0 = arith.constant 0 : i32
    %c0_i32_1 = arith.constant 0 : i32
    return %c0_i32, %c0_i32_0 : i32, i32
  }
  func.func @transform_8(%arg0: i32) -> (i32, i32) {
    %c0_i32 = arith.constant 0 : i32
    %c0_i32_0 = arith.constant 0 : i32
    %c0_i32_1 = arith.constant 0 : i32
    return %c0_i32, %c0_i32_0 : i32, i32
  }
  func.func @transform_9(%arg0: i32) -> (i32, i32) {
    %c0_i32 = arith.constant 0 : i32
    %c0_i32_0 = arith.constant 0 : i32
    %c0_i32_1 = arith.constant 0 : i32
    return %c0_i32, %c0_i32_0 : i32, i32
  }
  func.func @transform_10(%arg0: i32) -> (i32, i32) {
    %c0_i32 = arith.constant 0 : i32
    %c0_i32_0 = arith.constant 0 : i32
    %c0_i32_1 = arith.constant 0 : i32
    return %c0_i32, %c0_i32_0 : i32, i32
  }
  func.func @transform_11(%arg0: i32) -> (i32, i32) {
    %c0_i32 = arith.constant 0 : i32
    %c0_i32_0 = arith.constant 0 : i32
    %c0_i32_1 = arith.constant 0 : i32
    return %c0_i32, %c0_i32_0 : i32, i32
  }
  func.func @transform_12(%arg0: i32) -> (i32, i32) {
    %c0_i32 = arith.constant 0 : i32
    %c0_i32_0 = arith.constant 0 : i32
    %c0_i32_1 = arith.constant 0 : i32
    return %c0_i32, %c0_i32_0 : i32, i32
  }
  func.func @transform_13(%arg0: i32) -> (i32, i32) {
    %c0_i32 = arith.constant 0 : i32
    %c0_i32_0 = arith.constant 0 : i32
    %c0_i32_1 = arith.constant 0 : i32
    return %c0_i32, %c0_i32_0 : i32, i32
  }
  func.func @transform_14(%arg0: i32) -> (i32, i32) {
    %c0_i32 = arith.constant 0 : i32
    %c0_i32_0 = arith.constant 0 : i32
    %c0_i32_1 = arith.constant 0 : i32
    return %c0_i32, %c0_i32_0 : i32, i32
  }
  func.func @transform_15(%arg0: i32) -> (i32, i32) {
    %c0_i32 = arith.constant 0 : i32
    %c0_i32_0 = arith.constant 0 : i32
    %c0_i32_1 = arith.constant 0 : i32
    return %c0_i32, %c0_i32_0 : i32, i32
  }
  func.func @transform_16(%arg0: i32) -> (i32, i32) {
    %c0_i32 = arith.constant 0 : i32
    %c0_i32_0 = arith.constant 0 : i32
    return %arg0, %c0_i32 : i32, i32
  }
}

</mosaic_0001>

<sc_bundles>
// kernel: kernel.4.cloned.1.call-start
scs
__scs_entry_jumppad:
0x0: {  	(pc) =	sbr.rel $0x88, $3  }
0x1: {  	(tag) =	ssettag $0x0;
	lr =	simm.s32 $0x1  }
0x2: {  	[smem:$0x3F8F] =	sst lr;
	_ =	strace $0xD0000000  }
0x3: {  	_ = 	snop  }
0x4: {  	_ = 	snop  }
0x5: {  	_ = 	snop  }
0x6: {  	_ = 	snop  }
0x7: {  	_ = 	snop  }
__scs_overlays_trampoline_lowered:
0x8: {  	[smem:$0x3F9E] =	sst s0  }
0x9: {  	[smem:$0x3F9F] =	sst s1  }
0xa: {  	[smem:$0x3FA0] =	sst s2  }
0xb: {  	[smem:$0x3FA1] =	sst s3  }
0xc: {  	[smem:$0x3FA2] =	sst s4  }
0xd: {  	[smem:$0x3FA3] =	sst s5  }
0xe: {  	[smem:$0x3FA4] =	sst s6  }
0xf: {  	[smem:$0x3FA5] =	sst s7  }
0x10: {  	[smem:$0x3FA6] =	sst s8  }
0x11: {  	[smem:$0x3FA7] =	sst s9;
	s0 =	simm.s32 @!p0 $0x0  }
0x12: {  	s1 =	sld [smem:$0x3F8D];
	s0 =	simm.s32 @p0 $0x1  }
0x13: {  	[smem:$0x3FA8] =	sst s0;
	s0 =	simm.s32 @!p1 $0x0  }
0x14: {  	s2 =	sld [smem:$0x3F8C];
	s0 =	simm.s32 @p1 $0x1  }
0x15: {  	[smem:$0x3FA9] =	sst s0;
	s0 =	simm.s32 @!p2 $0x0  }
0x16: {  	s3 =	sld [smem:$0x3FDB];
	s0 =	simm.s32 @p2 $0x1  }
0x17: {  	s4 =	simm.s32 $0x1BF5;
	[smem:$0x3FAB] =	sst s0  }
0x18: {  	s0 =	sld [smem:$0x3F8E];
	_ =	swait.ge [sflag:s4], $0x0  }
0x19: {  	s7 =	sld [smem:$0x3F8F]  }
0x1a: {  	s8 =	sadd.s32 $0xFFFFE003, lr  }
0x1b: {  	s9 =	sadd.s32 $0xFFFFFEF7, lr;
	s5 =	simm.s32 $0xFFFFFFFF;
	p2 =	slt.u32 s8, $0xFFFFF086  }
0x1c: {  	p1 =	slt.u32 s9, $0xF7A;
	s5 =	simm.s32 @!p2 $0x0  }
0x1d: {  	s5 =	simm.s32 @p1 $0x1;
	p0 =	seq.s32 s7, s2  }
0x1e: {  	s7 =	smul.u32 @!p0 $0xF7A, s2;
	p2 =	seq.s32 @!p0 s5, $0x0  }
0x1f: {  	s9 =	smul.u32 $0xF7A, s1;
	s8 =	simm.s32 @!p0 $0x1BF5;
	p2 =	por !p2, p0  }
0x20: {  	[sflag:s8] =	ssyncset.s32 @!p0 $0xFFFFF086;
	s6 =	sadd.s32 @!p0 s3, s7;
	s7 =	simm.s32 @!p0 $0x108  }
0x21: {  	s3 =	sadd.s32 s3, s9;
	s6 =	sadd.s32 @!p0 $0x88, s6;
	s7 =	simm.s32 @p2 $0x1082  }
0x22: {  	[simem:s7], [sflag:s8] =	dma.local @!p0 [hbm:s6], $0xF7A  }
0x23: {  	s9 =	sor.u32 $0xD0000000, s2;
	s6 =	simm.s32 $0x108;
	_ =	swait.ge @!p0 [sflag:s8], $0x0  }
0x24: {  	s3 =	sadd.s32 $0x88, s3;
	s6 =	simm.s32 @!p1 $0x1082;
	[sflag:s4] =	ssyncset.s32 $0xFFFFF086  }
0x25: {  	[simem:s6], [sflag:s4] =	dma.local [hbm:s3], $0xF7A  }
0x26: {  	[smem:$0x3F8F] =	sst s1;
	(tag) =	ssettag s2;
	_ =	strace s9  }
0x27: {  	s1 =	sld [smem:$0x3F9F]  }
0x28: {  	s2 =	sld [smem:$0x3FA0]  }
0x29: {  	s4 =	sld [smem:$0x3FA2]  }
0x2a: {  	p0 =	seq.s32 s5, $0x0;
	s5 =	sld [smem:$0x3FA3]  }
0x2b: {  	s6 =	sld [smem:$0x3FA4]  }
0x2c: {  	s7 =	sld [smem:$0x3FA5]  }
0x2d: {  	s3 =	simm.s32 $0x108;
	s8 =	sld [smem:$0x3FA6]  }
0x2e: {  	s3 =	simm.s32 @!p0 $0x1082;
	s9 =	sld [smem:$0x3FA7]  }
0x2f: {  	lr =	sadd.s32 s0, s3;
	s0 =	sld [smem:$0x3F9E]  }
0x30: {  	s3 =	sld [smem:$0x3FA1]  }
0x31: {  	[smem:$0x3FAA] =	sst s10  }
0x32: {  	s10 =	sld [smem:$0x3FA8];
	_ =	sdelay $0x3  }
0x33: {  	p0 =	seq.s32 s10, $0x1;
	s10 =	sld [smem:$0x3FAA];
	_ =	sdelay $0x3  }
0x34: {  	[smem:$0x3FAA] =	sst s10  }
0x35: {  	s10 =	sld [smem:$0x3FA9];
	_ =	sdelay $0x3  }
0x36: {  	p1 =	seq.s32 s10, $0x1;
	s10 =	sld [smem:$0x3FAA];
	_ =	sdelay $0x3  }
0x37: {  	[smem:$0x3FAA] =	sst s10  }
0x38: {  	s10 =	sld [smem:$0x3FAB]  }
0x39: {  	_ = 	snop;
	(pc) =	sbr.ind lr, $3  }
0x3a: {  	_ = 	snop  }
0x3b: {  	_ = 	snop  }
0x3c: {  	p2 =	seq.s32 s10, $0x1;
	s10 =	sld [smem:$0x3FAA]  }
0x3d: {  	_ =	shalt  }
0x3e: {  	_ =	shalt  }
0x3f: {  	_ =	shalt  }
0x40: {  	_ =	shalt  }
0x41: {  	_ =	shalt  }
0x42: {  	_ =	shalt  }
0x43: {  	_ =	shalt  }
0x44: {  	_ =	shalt  }
0x45: {  	_ =	shalt  }
0x46: {  	_ =	shalt  }
0x47: {  	_ =	shalt  }
0x48: {  	_ =	shalt  }
0x49: {  	_ =	shalt  }
0x4a: {  	_ =	shalt  }
0x4b: {  	_ =	shalt  }
0x4c: {  	_ =	shalt  }
0x4d: {  	_ =	shalt  }
0x4e: {  	_ =	shalt  }
0x4f: {  	_ =	shalt  }
0x50: {  	_ =	shalt  }
0x51: {  	_ =	shalt  }
0x52: {  	_ =	shalt  }
0x53: {  	_ =	shalt  }
0x54: {  	_ =	shalt  }
0x55: {  	_ =	shalt  }
0x56: {  	_ =	shalt  }
0x57: {  	_ =	shalt  }
0x58: {  	_ =	shalt  }
0x59: {  	_ =	shalt  }
0x5a: {  	_ =	shalt  }
0x5b: {  	_ =	shalt  }
0x5c: {  	_ =	shalt  }
0x5d: {  	_ =	shalt  }
0x5e: {  	_ =	shalt  }
0x5f: {  	_ =	shalt  }
0x60: {  	_ =	shalt  }
0x61: {  	_ =	shalt  }
0x62: {  	_ =	shalt  }
0x63: {  	_ =	shalt  }
0x64: {  	_ =	shalt  }
0x65: {  	_ =	shalt  }
0x66: {  	_ =	shalt  }
0x67: {  	_ =	shalt  }
0x68: {  	_ =	shalt  }
0x69: {  	_ =	shalt  }
0x6a: {  	_ =	shalt  }
0x6b: {  	_ =	shalt  }
0x6c: {  	_ =	shalt  }
0x6d: {  	_ =	shalt  }
0x6e: {  	_ =	shalt  }
0x6f: {  	_ =	shalt  }
0x70: {  	_ =	shalt  }
0x71: {  	_ =	shalt  }
0x72: {  	_ =	shalt  }
0x73: {  	_ =	shalt  }
0x74: {  	_ =	shalt  }
0x75: {  	_ =	shalt  }
0x76: {  	_ =	shalt  }
0x77: {  	_ =	shalt  }
0x78: {  	_ =	shalt  }
0x79: {  	_ =	shalt  }
0x7a: {  	_ =	shalt  }
0x7b: {  	_ =	shalt  }
0x7c: {  	_ =	shalt  }
0x7d: {  	_ =	shalt  }
0x7e: {  	_ =	shalt  }
0x7f: {  	_ =	shalt  }
0x80: {  	_ =	shalt  }
0x81: {  	_ =	shalt  }
0x82: {  	_ =	shalt  }
0x83: {  	_ =	shalt  }
0x84: {  	_ =	shalt  }
0x85: {  	_ =	shalt  }
0x86: {  	_ =	shalt  }
0x87: {  	_ =	shalt  }
.Lfunc_end0:
.L_simem_size_0:
called_computation_lowered:
.L_overlay_start_0:
0x88: {  	s2 =	sld [smem:$0x3FD9]  }
0x89: {  	s3 =	sld [smem:$0x3FFE];
	_ =	sdelay $0x1  }
0x8a: {  	s1 =	srdreg.scid  }
0x8b: {  	s0 =	sand.u32 $0x1, s1  }
0x8c: {  	s17 =	sshll.u32 s0, $0xA;
	s2 =	sadd.s32 s3, s2  }
0x8d: {  	s2 =	sadd.s32 s2, s17  }
0x8e: {  	[smem:$0x3FB6] =	sst s2  }
0x8f: {  	_ = 	snop  }
0x90: {  	s2 =	sld [smem:$0x3FC3]  }
0x91: {  	s18 =	sld [smem:$0x3FD0];
	(tm) =	ssettm $0x1  }
0x92: {  	s4 =	sld [smem:$0x3FFB];
	_ =	sdelay $0x3  }
0x93: {  	_ =	strace s4  }
0x94: {  	s4 =	sld [smem:$0x3FFC];
	_ =	sdelay $0x3  }
0x95: {  	_ =	strace s4  }
0x96: {  	s4 =	sld [smem:$0x3FFD];
	_ =	sdelay $0x3  }
0x97: {  	_ =	strace s4  }
0x98: {  	_ =	strace $0x8FFFFFFF  }
0x99: {  	s19 =	sld [smem:$0x3FDB];
	_ =	sdelay $0x1  }
0x9a: {  	s5 =	simm.s32 $_scs_section_size  }
0x9b: {  	s6 =	simm.s32 $_size__tile_overlayer_lowered;
	s7 =	simm.s32 $_tile_overlayer_lowered  }
0x9c: {  	s22 =	simm.s32 $0x1BFF;
	s21 =	sshll.u32 s7, $0x1;
	s4 =	sadd.s32 s5, s19  }
0x9d: {  	s8 =	simm.s32 $0x0;
	s20 =	sshll.u32 s6, $0x1;
	s6 =	sadd.s32 s21, s4  }
0x9e: {  	[timem:s8], [sflag:s22] =	dma.local [hbm:s6], s20  }
0x9f: {  	_ =	swait.ge [sflag:s22], s20  }
0xa0: {  	s5 =	ssub.s32 $0x0, s20;
	[sflag:s22] =	ssyncset.done $0x0  }
0xa1: {  	[sflag:s22] =	ssyncadd.s32 s5;
	_ =	sdelay $0x1  }
0xa2: {  	s23 =	simm.s32 $0x1B8B  }
0xa3: {  	_ =	swait.ge [sflag:s23], $0x1  }
0xa4: {  	[sflag:s23] =	ssyncset.done $0x0  }
0xa5: {  	s25 =	simm.s32 $0x1B8E;
	s24 =	sld [smem:$0x3FFE];
	[sflag:s23] =	ssyncadd.s32 $0xFFFFFFFF  }
0xa6: {  	s26 =	simm.s32 $execute0_lowered;
	[smem:$0x3FD2] =	sst s25  }
0xa7: {  	s6 =	sshll.u32 s26, $0x1;
	_ =	strace $0x80000046;
	[dreg:$0x1] =	wrdreg $0xFFFFFFFF  }
0xa8: {  	s28 =	simm.s32 $_size_execute0_lowered;
	s4 =	sadd.s32 s4, s6;
	[dreg:$0x0] =	wrdreg $0x0  }
0xa9: {  	s6 =	sshll.u32 s28, $0x1;
	[dreg:$0x2] =	wrdreg s4  }
0xaa: {  	[dreg:$0x3] =	wrdreg s6  }
0xab: {  	[dreg:$0x4] =	wrdreg $0xC0  }
0xac: {  	_ =	task [dreg:s8], $0x5FFFF  }
0xad: {  	[dreg:$0x1] =	wrdreg $0xFFFFFFFF  }
0xae: {  	[dreg:$0x0] =	wrdreg $0x60  }
0xaf: {  	[dreg:$0x2] =	wrdreg s2  }
0xb0: {  	[dreg:$0x3] =	wrdreg s18  }
0xb1: {  	[dreg:$0x4] =	wrdreg s24  }
0xb2: {  	[dreg:$0x5] =	wrdreg $0x9  }
0xb3: {  	_ =	task.clear_ibuf [dreg:s8], $0x6FFFF;
	_ =	strace $0x90000046  }
0xb4: {  	s29 =	simm.s32 $0x9;
	_ =	strace $0x80000048  }
0xb5: {  	_ =	swait.ge [sflag:s29], $0x1  }
0xb6: {  	[sflag:s29] =	ssyncadd.s32 $0xFFFFFFFF  }
0xb7: {  	_ =	strace $0x90000048  }
0xb8: {  	_ =	sfence  }
0xb9: {  	s30 =	sld [smem:$0x0];
	_ =	sdelay $0x2  }
0xba: {  	s31 =	sshll.u32 s1, $0xD;
	s1 =	sshrl.u32 s1, $0x2  }
0xbb: {  	s3 =	sand.u32 $0x4000, s31;
	s1 =	sadd.s32 s1, s30  }
0xbc: {  	s0 =	sor.u32 s3, s0;
	s1 =	sshll.u32 s1, $0x11  }
0xbd: {  	s0 =	sor.u32 s1, s0  }
0xbe: {  	s0 =	sadd.s32 $0x8F2B, s0  }
0xbf: {  	[sflag:s0] =	ssyncadd.remote.s32 $0x1  }
0xc0: {  	_ =	sfence.sel $0xFFFF  }
0xc1: {  	[dreg:$0x0] =	wrdreg $0xFFFFFFFF;
	(pc) =	sbr.abs _section_cstart, $3  }
0xc2: {  	[dreg:$0x1] =	wrdreg $0xFFFFFFFF  }
0xc3: {  	_ =	task.clear_ibuf [dreg:s8], $0x2FFFF;
	_ =	strace $0x9FFFFFFF  }
0xc4: {  	(tm) =	ssettm $0x7FFFFFFF  }
0xc5: {  	_ =	shalt  }
tec
execute0_lowered:
.L_overlay_start_1:
0x0: {  	(tag) =	ssettag $0x1  }
0x1: {  	s1 =	rddreg [dreg:$0x0]  }
0x2: {  	s0 =	rddreg [dreg:$0x1]  }
0x3: {  	s2 =	rddreg [dreg:$0x2]  }
0x4: {  	s3 =	srdreg.scid;
	s5 =	stileid.u32;
	s10 =	simm.s32 $0x880  }
0x5: {  	s11 =	simm.s32 $0x1080;
	s12 =	simm.s32 $0x1880;
	s13 =	simm.s32 $0x2080  }
0x6: {  	s14 =	simm.s32 $0x2880;
	s15 =	simm.s32 $0x3080;
	s16 =	simm.s32 $0x3880  }
0x7: {  	s17 =	simm.s32 $0x4080;
	s18 =	simm.s32 $0x4880;
	s19 =	simm.s32 $0x5080  }
0x8: {  	s20 =	simm.s32 $0x5880;
	s21 =	simm.s32 $0x6080;
	s22 =	simm.s32 $0x6880  }
0x9: {  	s23 =	simm.s32 $0x7080;
	s28 =	simm.s32 $0x9080;
	s29 =	simm.s32 $0x9880  }
0xa: {  	s30 =	simm.s32 $0xA080;
	s31 =	simm.s32 $0xA880;
	s4 =	sand.u32 $0x1, s3  }
0xb: {  	s3 =	simm.s32 $0x0;
	s5 =	sshll.u32 s5, $0x6;
	s2 =	sadd.s32 $0x2400, s2  }
0xc: {  	s6 =	sshll.u32 s4, $0x5;
	[smem:$0x7FF] =	sst s3;
	s4 =	ssub.s32 $0x2, s4  }
0xd: {  	s5 =	sor.u32 s6, s5;
	_ =	strace $0x80000047;
	s8 =	sshrl.u32 s4, $0x1  }
0xe: {  	s6 =	smul.u32 $0x300, s5;
	s7 =	sadd.s32 s0, s5;
	s5 =	sor.u32 $0x10, s5  }
0xf: {  	s25 =	ssub.s32 s4, s8;
	s4 =	sadd.s32 $0x100, s1;
	s8 =	simm.s32 $0xB880  }
0x10: {  	[dreg:$0x4] =	wrdreg s7;
	s24 =	smul.u32 $0x300, s5;
	s0 =	sadd.s32 s0, s5  }
0x11: {  	s5 =	sadd.s32 $0x200, s1;
	s6 =	sadd.s32 s2, s6;
	[dreg:$0x6] =	wrdreg s0  }
0x12: {  	v2 =	vlaneseq.u32;
	s7 =	simm.s32 $0x2;
	[dreg:$0x5] =	wrdreg s6;
	s26 =	sadd.s32 s2, s24  }
0x13: {  	vm0 =	vmmov $0xffff;
	v1 =	vshrl.u32 v2, $0x3;
	s6 =	smax.u32 s25, $0x1;
	s2 =	simm.s32 $0x1;
	s24 =	simm.s32 $0x7880  }
0x14: {  	v0 =	vand.u32 $0x7, v2;
	v2 =	vor.u32 $0x8, v2;
	v1 =	vmul.u32 $0x8, v1;
	s25 =	simm.s32 $0x8080;
	[dreg:$0x7] =	wrdreg s26;
	s26 =	simm.s32 $0x8880  }
.LBB2_1:
0x15: {  	s9 =	rddreg [dreg:$0x4]  }
0x16: {  	[tilespmem:s3], [sflag:$0x2] =	stream.linear.gather [hbm4b:s9+s3], $0x80, $0x38;
	[tilespmem:$0x18080] =	vst v63  }
0x17: {  	_ =	swait.ge [sflag:s7], $0x80  }
0x18: {  	[sflag:s7] =	ssyncset.done $0x0  }
0x19: {  	[sflag:s7] =	ssyncadd.s32 $0xFFFFFF80  }
0x1a: {  	v3 =	vld [tilespmem:$0x0];
	_ =	sdelay $0x4  }
0x1b: {  	v4 =	vshrl.u32 v3, $0x3  }
0x1c: {  	v4 =	vmul.u32 $0x30, v4  }
0x1d: {  	v3 =	vand.u32 $0x7, v3  }
0x1e: {  	v3 =	vor.u32 v3, v4  }
0x1f: {  	v4 =	vperm.xlane v3, v0;
	_ =	sdelay $0x1  }
0x20: {  	v4 =	vadd.s32 v1, v4;
	_ =	sdelay $0x3  }
0x21: {  	s0 =	simm.s32 $0x80;
	v3 =	vperm.xlane v3, v2  }
0x22: {  	[tilespmem:s0], [sflag:$0x1] =	stream.indirect_vreg.gather [hbm4b:s1+s3], $0x80, v4, vm0, $0xb8;
	[tilespmem:$0x18080] =	vst v63  }
0x23: {  	v3 =	vadd.s32 v1, v3  }
0x24: {  	[tilespmem:s10], [sflag:$0x1] =	stream.indirect_vreg.gather [hbm4b:s4+s3], $0x80, v4, vm0, $0xb8;
	[tilespmem:$0x18080] =	vst v63  }
0x25: {  	_ = 	snop  }
0x26: {  	[tilespmem:s11], [sflag:$0x1] =	stream.indirect_vreg.gather [hbm4b:s5+s3], $0x80, v4, vm0, $0xb8;
	[tilespmem:$0x18080] =	vst v63  }
0x27: {  	_ = 	snop  }
0x28: {  	[tilespmem:s12], [sflag:$0x1] =	stream.indirect_vreg.gather [hbm4b:s1+s3], $0x80, v3, vm0, $0xb8;
	[tilespmem:$0x18080] =	vst v63  }
0x29: {  	_ = 	snop  }
0x2a: {  	[tilespmem:s13], [sflag:$0x1] =	stream.indirect_vreg.gather [hbm4b:s4+s3], $0x80, v3, vm0, $0xb8;
	[tilespmem:$0x18080] =	vst v63  }
0x2b: {  	_ = 	snop  }
0x2c: {  	[tilespmem:s14], [sflag:$0x1] =	stream.indirect_vreg.gather [hbm4b:s5+s3], $0x80, v3, vm0, $0xb8;
	[tilespmem:$0x18080] =	vst v63  }
0x2d: {  	v3 =	vld [tilespmem:$0x10];
	_ =	sdelay $0x4  }
0x2e: {  	v49 =	vshrl.u32 v3, $0x3  }
0x2f: {  	v4 =	vmul.u32 $0x30, v49  }
0x30: {  	v3 =	vand.u32 $0x7, v3  }
0x31: {  	v3 =	vor.u32 v3, v4  }
0x32: {  	v4 =	vperm.xlane v3, v0;
	_ =	sdelay $0x1  }
0x33: {  	v4 =	vadd.s32 v1, v4;
	_ =	sdelay $0x3  }
0x34: {  	v3 =	vperm.xlane v3, v2  }
0x35: {  	[tilespmem:s15], [sflag:$0x1] =	stream.indirect_vreg.gather [hbm4b:s1+s3], $0x80, v4, vm0, $0xb8;
	[tilespmem:$0x18080] =	vst v63  }
0x36: {  	v3 =	vadd.s32 v1, v3  }
0x37: {  	[tilespmem:s16], [sflag:$0x1] =	stream.indirect_vreg.gather [hbm4b:s4+s3], $0x80, v4, vm0, $0xb8;
	[tilespmem:$0x18080] =	vst v63  }
0x38: {  	_ = 	snop  }
0x39: {  	[tilespmem:s17], [sflag:$0x1] =	stream.indirect_vreg.gather [hbm4b:s5+s3], $0x80, v4, vm0, $0xb8;
	[tilespmem:$0x18080] =	vst v63  }
0x3a: {  	_ = 	snop  }
0x3b: {  	[tilespmem:s18], [sflag:$0x1] =	stream.indirect_vreg.gather [hbm4b:s1+s3], $0x80, v3, vm0, $0xb8;
	[tilespmem:$0x18080] =	vst v63  }
0x3c: {  	_ = 	snop  }
0x3d: {  	[tilespmem:s19], [sflag:$0x1] =	stream.indirect_vreg.gather [hbm4b:s4+s3], $0x80, v3, vm0, $0xb8;
	[tilespmem:$0x18080] =	vst v63  }
0x3e: {  	_ = 	snop  }
0x3f: {  	[tilespmem:s20], [sflag:$0x1] =	stream.indirect_vreg.gather [hbm4b:s5+s3], $0x80, v3, vm0, $0xb8;
	[tilespmem:$0x18080] =	vst v63  }
0x40: {  	v3 =	vld [tilespmem:$0x20];
	_ =	sdelay $0x4  }
0x41: {  	v50 =	vshrl.u32 v3, $0x3  }
0x42: {  	v4 =	vmul.u32 $0x30, v50  }
0x43: {  	v3 =	vand.u32 $0x7, v3  }
0x44: {  	v3 =	vor.u32 v3, v4  }
0x45: {  	v4 =	vperm.xlane v3, v0;
	_ =	sdelay $0x1  }
0x46: {  	v4 =	vadd.s32 v1, v4;
	_ =	sdelay $0x3  }
0x47: {  	v3 =	vperm.xlane v3, v2  }
0x48: {  	[tilespmem:s21], [sflag:$0x1] =	stream.indirect_vreg.gather [hbm4b:s1+s3], $0x80, v4, vm0, $0xb8;
	[tilespmem:$0x18080] =	vst v63  }
0x49: {  	v3 =	vadd.s32 v1, v3  }
0x4a: {  	[tilespmem:s22], [sflag:$0x1] =	stream.indirect_vreg.gather [hbm4b:s4+s3], $0x80, v4, vm0, $0xb8;
	[tilespmem:$0x18080] =	vst v63  }
0x4b: {  	_ = 	snop  }
0x4c: {  	[tilespmem:s23], [sflag:$0x1] =	stream.indirect_vreg.gather [hbm4b:s5+s3], $0x80, v4, vm0, $0xb8;
	[tilespmem:$0x18080] =	vst v63  }
0x4d: {  	_ = 	snop  }
0x4e: {  	[tilespmem:s24], [sflag:$0x1] =	stream.indirect_vreg.gather [hbm4b:s1+s3], $0x80, v3, vm0, $0xb8;
	[tilespmem:$0x18080] =	vst v63  }
0x4f: {  	_ = 	snop  }
0x50: {  	[tilespmem:s25], [sflag:$0x1] =	stream.indirect_vreg.gather [hbm4b:s4+s3], $0x80, v3, vm0, $0xb8;
	[tilespmem:$0x18080] =	vst v63  }
0x51: {  	_ = 	snop  }
0x52: {  	[tilespmem:s26], [sflag:$0x1] =	stream.indirect_vreg.gather [hbm4b:s5+s3], $0x80, v3, vm0, $0xb8;
	[tilespmem:$0x18080] =	vst v63  }
0x53: {  	v3 =	vld [tilespmem:$0x30];
	_ =	sdelay $0x4  }
0x54: {  	v51 =	vshrl.u32 v3, $0x3  }
0x55: {  	v4 =	vmul.u32 $0x30, v51  }
0x56: {  	v3 =	vand.u32 $0x7, v3  }
0x57: {  	v3 =	vor.u32 v3, v4  }
0x58: {  	v4 =	vperm.xlane v3, v0;
	_ =	sdelay $0x1  }
0x59: {  	v4 =	vadd.s32 v1, v4;
	_ =	sdelay $0x3  }
0x5a: {  	v3 =	vperm.xlane v3, v2  }
0x5b: {  	[tilespmem:s28], [sflag:$0x1] =	stream.indirect_vreg.gather [hbm4b:s1+s3], $0x80, v4, vm0, $0xb8;
	[tilespmem:$0x18080] =	vst v63  }
0x5c: {  	v3 =	vadd.s32 v1, v3  }
0x5d: {  	[tilespmem:s29], [sflag:$0x1] =	stream.indirect_vreg.gather [hbm4b:s4+s3], $0x80, v4, vm0, $0xb8;
	[tilespmem:$0x18080] =	vst v63  }
0x5e: {  	_ = 	snop  }
0x5f: {  	[tilespmem:s30], [sflag:$0x1] =	stream.indirect_vreg.gather [hbm4b:s5+s3], $0x80, v4, vm0, $0xb8;
	[tilespmem:$0x18080] =	vst v63  }
0x60: {  	_ = 	snop  }
0x61: {  	[tilespmem:s31], [sflag:$0x1] =	stream.indirect_vreg.gather [hbm4b:s1+s3], $0x80, v3, vm0, $0xb8;
	[tilespmem:$0x18080] =	vst v63  }
0x62: {  	s9 =	simm.s32 $0xB080  }
0x63: {  	[tilespmem:s9], [sflag:$0x1] =	stream.indirect_vreg.gather [hbm4b:s4+s3], $0x80, v3, vm0, $0xb8;
	[tilespmem:$0x18080] =	vst v63  }
0x64: {  	_ = 	snop  }
0x65: {  	[tilespmem:s8], [sflag:$0x1] =	stream.indirect_vreg.gather [hbm4b:s5+s3], $0x80, v3, vm0, $0xb8;
	[tilespmem:$0x18080] =	vst v63  }
0x66: {  	v3 =	vld [tilespmem:$0x40];
	_ =	sdelay $0x4  }
0x67: {  	v52 =	vshrl.u32 v3, $0x3  }
0x68: {  	v4 =	vmul.u32 $0x30, v52  }
0x69: {  	v3 =	vand.u32 $0x7, v3  }
0x6a: {  	v3 =	vor.u32 v3, v4  }
0x6b: {  	v4 =	vperm.xlane v3, v0;
	_ =	sdelay $0x1  }
0x6c: {  	v4 =	vadd.s32 v1, v4;
	_ =	sdelay $0x3  }
0x6d: {  	s9 =	simm.s32 $0xC080;
	v3 =	vperm.xlane v3, v2  }
0x6e: {  	[tilespmem:s9], [sflag:$0x1] =	stream.indirect_vreg.gather [hbm4b:s1+s3], $0x80, v4, vm0, $0xb8;
	[tilespmem:$0x18080] =	vst v63  }
0x6f: {  	v3 =	vadd.s32 v1, v3;
	s9 =	simm.s32 $0xC880  }
0x70: {  	[tilespmem:s9], [sflag:$0x1] =	stream.indirect_vreg.gather [hbm4b:s4+s3], $0x80, v4, vm0, $0xb8;
	[tilespmem:$0x18080] =	vst v63  }
0x71: {  	s9 =	simm.s32 $0xD080  }
0x72: {  	[tilespmem:s9], [sflag:$0x1] =	stream.indirect_vreg.gather [hbm4b:s5+s3], $0x80, v4, vm0, $0xb8;
	[tilespmem:$0x18080] =	vst v63  }
0x73: {  	s9 =	simm.s32 $0xD880  }
0x74: {  	[tilespmem:s9], [sflag:$0x1] =	stream.indirect_vreg.gather [hbm4b:s1+s3], $0x80, v3, vm0, $0xb8;
	[tilespmem:$0x18080] =	vst v63  }
0x75: {  	s9 =	simm.s32 $0xE080  }
0x76: {  	[tilespmem:s9], [sflag:$0x1] =	stream.indirect_vreg.gather [hbm4b:s4+s3], $0x80, v3, vm0, $0xb8;
	[tilespmem:$0x18080] =	vst v63  }
0x77: {  	s9 =	simm.s32 $0xE880  }
0x78: {  	[tilespmem:s9], [sflag:$0x1] =	stream.indirect_vreg.gather [hbm4b:s5+s3], $0x80, v3, vm0, $0xb8;
	[tilespmem:$0x18080] =	vst v63  }
0x79: {  	v3 =	vld [tilespmem:$0x50];
	_ =	sdelay $0x4  }
0x7a: {  	v53 =	vshrl.u32 v3, $0x3  }
0x7b: {  	v4 =	vmul.u32 $0x30, v53  }
0x7c: {  	v3 =	vand.u32 $0x7, v3  }
0x7d: {  	v3 =	vor.u32 v3, v4  }
0x7e: {  	v4 =	vperm.xlane v3, v0;
	_ =	sdelay $0x1  }
0x7f: {  	v4 =	vadd.s32 v1, v4;
	_ =	sdelay $0x3  }
0x80: {  	s9 =	simm.s32 $0xF080;
	v3 =	vperm.xlane v3, v2  }
0x81: {  	[tilespmem:s9], [sflag:$0x1] =	stream.indirect_vreg.gather [hbm4b:s1+s3], $0x80, v4, vm0, $0xb8;
	[tilespmem:$0x18080] =	vst v63  }
0x82: {  	v3 =	vadd.s32 v1, v3;
	s9 =	simm.s32 $0xF880  }
0x83: {  	[tilespmem:s9], [sflag:$0x1] =	stream.indirect_vreg.gather [hbm4b:s4+s3], $0x80, v4, vm0, $0xb8;
	[tilespmem:$0x18080] =	vst v63  }
0x84: {  	s9 =	simm.s32 $0x10080  }
0x85: {  	[tilespmem:s9], [sflag:$0x1] =	stream.indirect_vreg.gather [hbm4b:s5+s3], $0x80, v4, vm0, $0xb8;
	[tilespmem:$0x18080] =	vst v63  }
0x86: {  	s9 =	simm.s32 $0x10880  }
0x87: {  	[tilespmem:s9], [sflag:$0x1] =	stream.indirect_vreg.gather [hbm4b:s1+s3], $0x80, v3, vm0, $0xb8;
	[tilespmem:$0x18080] =	vst v63  }
0x88: {  	s9 =	simm.s32 $0x11080  }
0x89: {  	[tilespmem:s9], [sflag:$0x1] =	stream.indirect_vreg.gather [hbm4b:s4+s3], $0x80, v3, vm0, $0xb8;
	[tilespmem:$0x18080] =	vst v63  }
0x8a: {  	s9 =	simm.s32 $0x11880  }
0x8b: {  	[tilespmem:s9], [sflag:$0x1] =	stream.indirect_vreg.gather [hbm4b:s5+s3], $0x80, v3, vm0, $0xb8;
	[tilespmem:$0x18080] =	vst v63  }
0x8c: {  	v3 =	vld [tilespmem:$0x60];
	_ =	sdelay $0x4  }
0x8d: {  	v54 =	vshrl.u32 v3, $0x3  }
0x8e: {  	v4 =	vmul.u32 $0x30, v54  }
0x8f: {  	v3 =	vand.u32 $0x7, v3  }
0x90: {  	v3 =	vor.u32 v3, v4  }
0x91: {  	v4 =	vperm.xlane v3, v0;
	_ =	sdelay $0x1  }
0x92: {  	v4 =	vadd.s32 v1, v4;
	_ =	sdelay $0x3  }
0x93: {  	s9 =	simm.s32 $0x12080;
	v3 =	vperm.xlane v3, v2  }
0x94: {  	[tilespmem:s9], [sflag:$0x1] =	stream.indirect_vreg.gather [hbm4b:s1+s3], $0x80, v4, vm0, $0xb8;
	[tilespmem:$0x18080] =	vst v63  }
0x95: {  	v3 =	vadd.s32 v1, v3;
	s9 =	simm.s32 $0x12880  }
0x96: {  	[tilespmem:s9], [sflag:$0x1] =	stream.indirect_vreg.gather [hbm4b:s4+s3], $0x80, v4, vm0, $0xb8;
	[tilespmem:$0x18080] =	vst v63  }
0x97: {  	s9 =	simm.s32 $0x13080  }
0x98: {  	[tilespmem:s9], [sflag:$0x1] =	stream.indirect_vreg.gather [hbm4b:s5+s3], $0x80, v4, vm0, $0xb8;
	[tilespmem:$0x18080] =	vst v63  }
0x99: {  	s9 =	simm.s32 $0x13880  }
0x9a: {  	[tilespmem:s9], [sflag:$0x1] =	stream.indirect_vreg.gather [hbm4b:s1+s3], $0x80, v3, vm0, $0xb8;
	[tilespmem:$0x18080] =	vst v63  }
0x9b: {  	s9 =	simm.s32 $0x14080  }
0x9c: {  	[tilespmem:s9], [sflag:$0x1] =	stream.indirect_vreg.gather [hbm4b:s4+s3], $0x80, v3, vm0, $0xb8;
	[tilespmem:$0x18080] =	vst v63  }
0x9d: {  	s9 =	simm.s32 $0x14880  }
0x9e: {  	[tilespmem:s9], [sflag:$0x1] =	stream.indirect_vreg.gather [hbm4b:s5+s3], $0x80, v3, vm0, $0xb8;
	[tilespmem:$0x18080] =	vst v63  }
0x9f: {  	v3 =	vld [tilespmem:$0x70];
	_ =	sdelay $0x4  }
0xa0: {  	v55 =	vshrl.u32 v3, $0x3  }
0xa1: {  	v4 =	vmul.u32 $0x30, v55  }
0xa2: {  	v3 =	vand.u32 $0x7, v3  }
0xa3: {  	v3 =	vor.u32 v3, v4  }
0xa4: {  	v4 =	vperm.xlane v3, v0;
	_ =	sdelay $0x1  }
0xa5: {  	v4 =	vadd.s32 v1, v4;
	_ =	sdelay $0x3  }
0xa6: {  	s9 =	simm.s32 $0x15080;
	v3 =	vperm.xlane v3, v2  }
0xa7: {  	[tilespmem:s9], [sflag:$0x1] =	stream.indirect_vreg.gather [hbm4b:s1+s3], $0x80, v4, vm0, $0xb8;
	[tilespmem:$0x18080] =	vst v63  }
0xa8: {  	v3 =	vadd.s32 v1, v3;
	s9 =	simm.s32 $0x15880  }
0xa9: {  	[tilespmem:s9], [sflag:$0x1] =	stream.indirect_vreg.gather [hbm4b:s4+s3], $0x80, v4, vm0, $0xb8;
	[tilespmem:$0x18080] =	vst v63  }
0xaa: {  	s9 =	simm.s32 $0x16080  }
0xab: {  	[tilespmem:s9], [sflag:$0x1] =	stream.indirect_vreg.gather [hbm4b:s5+s3], $0x80, v4, vm0, $0xb8;
	[tilespmem:$0x18080] =	vst v63  }
0xac: {  	s9 =	simm.s32 $0x16880  }
0xad: {  	[tilespmem:s9], [sflag:$0x1] =	stream.indirect_vreg.gather [hbm4b:s1+s3], $0x80, v3, vm0, $0xb8;
	[tilespmem:$0x18080] =	vst v63  }
0xae: {  	s9 =	simm.s32 $0x17080  }
0xaf: {  	[tilespmem:s9], [sflag:$0x1] =	stream.indirect_vreg.gather [hbm4b:s4+s3], $0x80, v3, vm0, $0xb8;
	[tilespmem:$0x18080] =	vst v63  }
0xb0: {  	s9 =	simm.s32 $0x17880  }
0xb1: {  	[tilespmem:s9], [sflag:$0x1] =	stream.indirect_vreg.gather [hbm4b:s5+s3], $0x80, v3, vm0, $0xb8;
	[tilespmem:$0x18080] =	vst v63  }
0xb2: {  	_ =	swait.ge [sflag:s2], $0x18000  }
0xb3: {  	[sflag:s2] =	ssyncset.done $0x0  }
0xb4: {  	s0 =	simm.s32 $0x80;
	s9 =	rddreg [dreg:$0x5];
	[sflag:s2] =	ssyncadd.s32 $0xFFFE8000  }
0xb5: {  	[hbm4b:s9+s3] =	stream.linear.scatter [tilespmem:s0], [sflag:$0x2], $0x18000, $0x38;
	[tilespmem:$0x18080] =	vst v63  }
0xb6: {  	_ =	swait.ge [sflag:s7], $0x18000  }
0xb7: {  	[sflag:s7] =	ssyncset.done $0x0  }
0xb8: {  	s9 =	rddreg [dreg:$0x6];
	[sflag:s7] =	ssyncadd.s32 $0xFFFE8000  }
0xb9: {  	[tilespmem:s3], [sflag:$0x2] =	stream.linear.gather [hbm4b:s9+s3], $0x80, $0x38;
	[tilespmem:$0x18080] =	vst v63  }
0xba: {  	_ =	swait.ge [sflag:s7], $0x80  }
0xbb: {  	[sflag:s7] =	ssyncset.done $0x0  }
0xbc: {  	[sflag:s7] =	ssyncadd.s32 $0xFFFFFF80  }
0xbd: {  	v3 =	vld [tilespmem:$0x0];
	_ =	sdelay $0x4  }
0xbe: {  	v56 =	vshrl.u32 v3, $0x3  }
0xbf: {  	v4 =	vmul.u32 $0x30, v56  }
0xc0: {  	v3 =	vand.u32 $0x7, v3  }
0xc1: {  	v3 =	vor.u32 v3, v4  }
0xc2: {  	v4 =	vperm.xlane v3, v0;
	_ =	sdelay $0x1  }
0xc3: {  	v4 =	vadd.s32 v1, v4;
	_ =	sdelay $0x3  }
0xc4: {  	v3 =	vperm.xlane v3, v2  }
0xc5: {  	[tilespmem:s0], [sflag:$0x1] =	stream.indirect_vreg.gather [hbm4b:s1+s3], $0x80, v4, vm0, $0xb8;
	[tilespmem:$0x18080] =	vst v63  }
0xc6: {  	v3 =	vadd.s32 v1, v3  }
0xc7: {  	[tilespmem:s10], [sflag:$0x1] =	stream.indirect_vreg.gather [hbm4b:s4+s3], $0x80, v4, vm0, $0xb8;
	[tilespmem:$0x18080] =	vst v63  }
0xc8: {  	_ = 	snop  }
0xc9: {  	[tilespmem:s11], [sflag:$0x1] =	stream.indirect_vreg.gather [hbm4b:s5+s3], $0x80, v4, vm0, $0xb8;
	[tilespmem:$0x18080] =	vst v63  }
0xca: {  	_ = 	snop  }
0xcb: {  	[tilespmem:s12], [sflag:$0x1] =	stream.indirect_vreg.gather [hbm4b:s1+s3], $0x80, v3, vm0, $0xb8;
	[tilespmem:$0x18080] =	vst v63  }
0xcc: {  	_ = 	snop  }
0xcd: {  	[tilespmem:s13], [sflag:$0x1] =	stream.indirect_vreg.gather [hbm4b:s4+s3], $0x80, v3, vm0, $0xb8;
	[tilespmem:$0x18080] =	vst v63  }
0xce: {  	_ = 	snop  }
0xcf: {  	[tilespmem:s14], [sflag:$0x1] =	stream.indirect_vreg.gather [hbm4b:s5+s3], $0x80, v3, vm0, $0xb8;
	[tilespmem:$0x18080] =	vst v63  }
0xd0: {  	v3 =	vld [tilespmem:$0x10];
	_ =	sdelay $0x4  }
0xd1: {  	v57 =	vshrl.u32 v3, $0x3  }
0xd2: {  	v4 =	vmul.u32 $0x30, v57  }
0xd3: {  	v3 =	vand.u32 $0x7, v3  }
0xd4: {  	v3 =	vor.u32 v3, v4  }
0xd5: {  	v4 =	vperm.xlane v3, v0;
	_ =	sdelay $0x1  }
0xd6: {  	v4 =	vadd.s32 v1, v4;
	_ =	sdelay $0x3  }
0xd7: {  	v3 =	vperm.xlane v3, v2  }
0xd8: {  	[tilespmem:s15], [sflag:$0x1] =	stream.indirect_vreg.gather [hbm4b:s1+s3], $0x80, v4, vm0, $0xb8;
	[tilespmem:$0x18080] =	vst v63  }
0xd9: {  	v3 =	vadd.s32 v1, v3  }
0xda: {  	[tilespmem:s16], [sflag:$0x1] =	stream.indirect_vreg.gather [hbm4b:s4+s3], $0x80, v4, vm0, $0xb8;
	[tilespmem:$0x18080] =	vst v63  }
0xdb: {  	_ = 	snop  }
0xdc: {  	[tilespmem:s17], [sflag:$0x1] =	stream.indirect_vreg.gather [hbm4b:s5+s3], $0x80, v4, vm0, $0xb8;
	[tilespmem:$0x18080] =	vst v63  }
0xdd: {  	_ = 	snop  }
0xde: {  	[tilespmem:s18], [sflag:$0x1] =	stream.indirect_vreg.gather [hbm4b:s1+s3], $0x80, v3, vm0, $0xb8;
	[tilespmem:$0x18080] =	vst v63  }
0xdf: {  	_ = 	snop  }
0xe0: {  	[tilespmem:s19], [sflag:$0x1] =	stream.indirect_vreg.gather [hbm4b:s4+s3], $0x80, v3, vm0, $0xb8;
	[tilespmem:$0x18080] =	vst v63  }
0xe1: {  	_ = 	snop  }
0xe2: {  	[tilespmem:s20], [sflag:$0x1] =	stream.indirect_vreg.gather [hbm4b:s5+s3], $0x80, v3, vm0, $0xb8;
	[tilespmem:$0x18080] =	vst v63  }
0xe3: {  	v3 =	vld [tilespmem:$0x20];
	_ =	sdelay $0x4  }
0xe4: {  	v58 =	vshrl.u32 v3, $0x3  }
0xe5: {  	v4 =	vmul.u32 $0x30, v58  }
0xe6: {  	v3 =	vand.u32 $0x7, v3  }
0xe7: {  	v3 =	vor.u32 v3, v4  }
0xe8: {  	v4 =	vperm.xlane v3, v0;
	_ =	sdelay $0x1  }
0xe9: {  	v4 =	vadd.s32 v1, v4;
	_ =	sdelay $0x3  }
0xea: {  	v3 =	vperm.xlane v3, v2  }
0xeb: {  	[tilespmem:s21], [sflag:$0x1] =	stream.indirect_vreg.gather [hbm4b:s1+s3], $0x80, v4, vm0, $0xb8;
	[tilespmem:$0x18080] =	vst v63  }
0xec: {  	v3 =	vadd.s32 v1, v3  }
0xed: {  	[tilespmem:s22], [sflag:$0x1] =	stream.indirect_vreg.gather [hbm4b:s4+s3], $0x80, v4, vm0, $0xb8;
	[tilespmem:$0x18080] =	vst v63  }
0xee: {  	_ = 	snop  }
0xef: {  	[tilespmem:s23], [sflag:$0x1] =	stream.indirect_vreg.gather [hbm4b:s5+s3], $0x80, v4, vm0, $0xb8;
	[tilespmem:$0x18080] =	vst v63  }
0xf0: {  	_ = 	snop  }
0xf1: {  	[tilespmem:s24], [sflag:$0x1] =	stream.indirect_vreg.gather [hbm4b:s1+s3], $0x80, v3, vm0, $0xb8;
	[tilespmem:$0x18080] =	vst v63  }
0xf2: {  	_ = 	snop  }
0xf3: {  	[tilespmem:s25], [sflag:$0x1] =	stream.indirect_vreg.gather [hbm4b:s4+s3], $0x80, v3, vm0, $0xb8;
	[tilespmem:$0x18080] =	vst v63  }
0xf4: {  	_ = 	snop  }
0xf5: {  	[tilespmem:s26], [sflag:$0x1] =	stream.indirect_vreg.gather [hbm4b:s5+s3], $0x80, v3, vm0, $0xb8;
	[tilespmem:$0x18080] =	vst v63  }
0xf6: {  	v3 =	vld [tilespmem:$0x30];
	_ =	sdelay $0x4  }
0xf7: {  	v59 =	vshrl.u32 v3, $0x3  }
0xf8: {  	v4 =	vmul.u32 $0x30, v59  }
0xf9: {  	v3 =	vand.u32 $0x7, v3  }
0xfa: {  	v3 =	vor.u32 v3, v4  }
0xfb: {  	v4 =	vperm.xlane v3, v0;
	_ =	sdelay $0x1  }
0xfc: {  	v4 =	vadd.s32 v1, v4;
	_ =	sdelay $0x3  }
0xfd: {  	v3 =	vperm.xlane v3, v2  }
0xfe: {  	[tilespmem:s28], [sflag:$0x1] =	stream.indirect_vreg.gather [hbm4b:s1+s3], $0x80, v4, vm0, $0xb8;
	[tilespmem:$0x18080] =	vst v63  }
0xff: {  	v3 =	vadd.s32 v1, v3  }
0x100: {  	[tilespmem:s29], [sflag:$0x1] =	stream.indirect_vreg.gather [hbm4b:s4+s3], $0x80, v4, vm0, $0xb8;
	[tilespmem:$0x18080] =	vst v63  }
0x101: {  	_ = 	snop  }
0x102: {  	[tilespmem:s30], [sflag:$0x1] =	stream.indirect_vreg.gather [hbm4b:s5+s3], $0x80, v4, vm0, $0xb8;
	[tilespmem:$0x18080] =	vst v63  }
0x103: {  	_ = 	snop  }
0x104: {  	[tilespmem:s31], [sflag:$0x1] =	stream.indirect_vreg.gather [hbm4b:s1+s3], $0x80, v3, vm0, $0xb8;
	[tilespmem:$0x18080] =	vst v63  }
0x105: {  	s9 =	simm.s32 $0xB080  }
0x106: {  	[tilespmem:s9], [sflag:$0x1] =	stream.indirect_vreg.gather [hbm4b:s4+s3], $0x80, v3, vm0, $0xb8;
	[tilespmem:$0x18080] =	vst v63  }
0x107: {  	_ = 	snop  }
0x108: {  	[tilespmem:s8], [sflag:$0x1] =	stream.indirect_vreg.gather [hbm4b:s5+s3], $0x80, v3, vm0, $0xb8;
	[tilespmem:$0x18080] =	vst v63  }
0x109: {  	v3 =	vld [tilespmem:$0x40];
	_ =	sdelay $0x4  }
0x10a: {  	v60 =	vshrl.u32 v3, $0x3  }
0x10b: {  	v4 =	vmul.u32 $0x30, v60  }
0x10c: {  	v3 =	vand.u32 $0x7, v3  }
0x10d: {  	v3 =	vor.u32 v3, v4  }
0x10e: {  	v4 =	vperm.xlane v3, v0;
	_ =	sdelay $0x1  }
0x10f: {  	v4 =	vadd.s32 v1, v4;
	_ =	sdelay $0x3  }
0x110: {  	s9 =	simm.s32 $0xC080;
	v3 =	vperm.xlane v3, v2  }
0x111: {  	[tilespmem:s9], [sflag:$0x1] =	stream.indirect_vreg.gather [hbm4b:s1+s3], $0x80, v4, vm0, $0xb8;
	[tilespmem:$0x18080] =	vst v63  }
0x112: {  	v3 =	vadd.s32 v1, v3;
	s9 =	simm.s32 $0xC880  }
0x113: {  	[tilespmem:s9], [sflag:$0x1] =	stream.indirect_vreg.gather [hbm4b:s4+s3], $0x80, v4, vm0, $0xb8;
	[tilespmem:$0x18080] =	vst v63  }
0x114: {  	s9 =	simm.s32 $0xD080  }
0x115: {  	[tilespmem:s9], [sflag:$0x1] =	stream.indirect_vreg.gather [hbm4b:s5+s3], $0x80, v4, vm0, $0xb8;
	[tilespmem:$0x18080] =	vst v63  }
0x116: {  	s9 =	simm.s32 $0xD880  }
0x117: {  	[tilespmem:s9], [sflag:$0x1] =	stream.indirect_vreg.gather [hbm4b:s1+s3], $0x80, v3, vm0, $0xb8;
	[tilespmem:$0x18080] =	vst v63  }
0x118: {  	s9 =	simm.s32 $0xE080  }
0x119: {  	[tilespmem:s9], [sflag:$0x1] =	stream.indirect_vreg.gather [hbm4b:s4+s3], $0x80, v3, vm0, $0xb8;
	[tilespmem:$0x18080] =	vst v63  }
0x11a: {  	s9 =	simm.s32 $0xE880  }
0x11b: {  	[tilespmem:s9], [sflag:$0x1] =	stream.indirect_vreg.gather [hbm4b:s5+s3], $0x80, v3, vm0, $0xb8;
	[tilespmem:$0x18080] =	vst v63  }
0x11c: {  	v3 =	vld [tilespmem:$0x50];
	_ =	sdelay $0x4  }
0x11d: {  	v61 =	vshrl.u32 v3, $0x3  }
0x11e: {  	v4 =	vmul.u32 $0x30, v61  }
0x11f: {  	v3 =	vand.u32 $0x7, v3  }
0x120: {  	v3 =	vor.u32 v3, v4  }
0x121: {  	v4 =	vperm.xlane v3, v0;
	_ =	sdelay $0x1  }
0x122: {  	v4 =	vadd.s32 v1, v4;
	_ =	sdelay $0x3  }
0x123: {  	s9 =	simm.s32 $0xF080;
	v3 =	vperm.xlane v3, v2  }
0x124: {  	[tilespmem:s9], [sflag:$0x1] =	stream.indirect_vreg.gather [hbm4b:s1+s3], $0x80, v4, vm0, $0xb8;
	[tilespmem:$0x18080] =	vst v63  }
0x125: {  	v3 =	vadd.s32 v1, v3;
	s9 =	simm.s32 $0xF880  }
0x126: {  	[tilespmem:s9], [sflag:$0x1] =	stream.indirect_vreg.gather [hbm4b:s4+s3], $0x80, v4, vm0, $0xb8;
	[tilespmem:$0x18080] =	vst v63  }
0x127: {  	s9 =	simm.s32 $0x10080  }
0x128: {  	[tilespmem:s9], [sflag:$0x1] =	stream.indirect_vreg.gather [hbm4b:s5+s3], $0x80, v4, vm0, $0xb8;
	[tilespmem:$0x18080] =	vst v63  }
0x129: {  	s9 =	simm.s32 $0x10880  }
0x12a: {  	[tilespmem:s9], [sflag:$0x1] =	stream.indirect_vreg.gather [hbm4b:s1+s3], $0x80, v3, vm0, $0xb8;
	[tilespmem:$0x18080] =	vst v63  }
0x12b: {  	s9 =	simm.s32 $0x11080  }
0x12c: {  	[tilespmem:s9], [sflag:$0x1] =	stream.indirect_vreg.gather [hbm4b:s4+s3], $0x80, v3, vm0, $0xb8;
	[tilespmem:$0x18080] =	vst v63  }
0x12d: {  	s9 =	simm.s32 $0x11880  }
0x12e: {  	[tilespmem:s9], [sflag:$0x1] =	stream.indirect_vreg.gather [hbm4b:s5+s3], $0x80, v3, vm0, $0xb8;
	[tilespmem:$0x18080] =	vst v63  }
0x12f: {  	v3 =	vld [tilespmem:$0x60];
	_ =	sdelay $0x4  }
0x130: {  	v62 =	vshrl.u32 v3, $0x3  }
0x131: {  	v4 =	vmul.u32 $0x30, v62  }
0x132: {  	v3 =	vand.u32 $0x7, v3  }
0x133: {  	v3 =	vor.u32 v3, v4  }
0x134: {  	v4 =	vperm.xlane v3, v0;
	_ =	sdelay $0x1  }
0x135: {  	v4 =	vadd.s32 v1, v4;
	_ =	sdelay $0x3  }
0x136: {  	s9 =	simm.s32 $0x12080;
	v3 =	vperm.xlane v3, v2  }
0x137: {  	[tilespmem:s9], [sflag:$0x1] =	stream.indirect_vreg.gather [hbm4b:s1+s3], $0x80, v4, vm0, $0xb8;
	[tilespmem:$0x18080] =	vst v63  }
0x138: {  	v3 =	vadd.s32 v1, v3;
	s9 =	simm.s32 $0x12880  }
0x139: {  	[tilespmem:s9], [sflag:$0x1] =	stream.indirect_vreg.gather [hbm4b:s4+s3], $0x80, v4, vm0, $0xb8;
	[tilespmem:$0x18080] =	vst v63  }
0x13a: {  	s9 =	simm.s32 $0x13080  }
0x13b: {  	[tilespmem:s9], [sflag:$0x1] =	stream.indirect_vreg.gather [hbm4b:s5+s3], $0x80, v4, vm0, $0xb8;
	[tilespmem:$0x18080] =	vst v63  }
0x13c: {  	s9 =	simm.s32 $0x13880  }
0x13d: {  	[tilespmem:s9], [sflag:$0x1] =	stream.indirect_vreg.gather [hbm4b:s1+s3], $0x80, v3, vm0, $0xb8;
	[tilespmem:$0x18080] =	vst v63  }
0x13e: {  	s9 =	simm.s32 $0x14080  }
0x13f: {  	[tilespmem:s9], [sflag:$0x1] =	stream.indirect_vreg.gather [hbm4b:s4+s3], $0x80, v3, vm0, $0xb8;
	[tilespmem:$0x18080] =	vst v63  }
0x140: {  	s9 =	simm.s32 $0x14880  }
0x141: {  	[tilespmem:s9], [sflag:$0x1] =	stream.indirect_vreg.gather [hbm4b:s5+s3], $0x80, v3, vm0, $0xb8;
	[tilespmem:$0x18080] =	vst v63  }
0x142: {  	v3 =	vld [tilespmem:$0x70];
	_ =	sdelay $0x4  }
0x143: {  	v63 =	vshrl.u32 v3, $0x3  }
0x144: {  	v4 =	vmul.u32 $0x30, v63  }
0x145: {  	v3 =	vand.u32 $0x7, v3  }
0x146: {  	v3 =	vor.u32 v3, v4  }
0x147: {  	v4 =	vperm.xlane v3, v0;
	_ =	sdelay $0x1  }
0x148: {  	v4 =	vadd.s32 v1, v4;
	_ =	sdelay $0x3  }
0x149: {  	s9 =	simm.s32 $0x15080;
	v3 =	vperm.xlane v3, v2  }
0x14a: {  	[tilespmem:s9], [sflag:$0x1] =	stream.indirect_vreg.gather [hbm4b:s1+s3], $0x80, v4, vm0, $0xb8;
	[tilespmem:$0x18080] =	vst v63  }
0x14b: {  	v3 =	vadd.s32 v1, v3;
	s9 =	simm.s32 $0x15880  }
0x14c: {  	[tilespmem:s9], [sflag:$0x1] =	stream.indirect_vreg.gather [hbm4b:s4+s3], $0x80, v4, vm0, $0xb8;
	[tilespmem:$0x18080] =	vst v63  }
0x14d: {  	s9 =	simm.s32 $0x16080  }
0x14e: {  	[tilespmem:s9], [sflag:$0x1] =	stream.indirect_vreg.gather [hbm4b:s5+s3], $0x80, v4, vm0, $0xb8;
	[tilespmem:$0x18080] =	vst v63  }
0x14f: {  	s9 =	simm.s32 $0x16880  }
0x150: {  	[tilespmem:s9], [sflag:$0x1] =	stream.indirect_vreg.gather [hbm4b:s1+s3], $0x80, v3, vm0, $0xb8;
	[tilespmem:$0x18080] =	vst v63  }
0x151: {  	s9 =	simm.s32 $0x17080  }
0x152: {  	[tilespmem:s9], [sflag:$0x1] =	stream.indirect_vreg.gather [hbm4b:s4+s3], $0x80, v3, vm0, $0xb8;
	[tilespmem:$0x18080] =	vst v63  }
0x153: {  	s9 =	simm.s32 $0x17880  }
0x154: {  	[tilespmem:s9], [sflag:$0x1] =	stream.indirect_vreg.gather [hbm4b:s5+s3], $0x80, v3, vm0, $0xb8;
	[tilespmem:$0x18080] =	vst v63  }
0x155: {  	_ =	swait.ge [sflag:s2], $0x18000  }
0x156: {  	p0 =	sne.s32 s6, $0x1;
	s0 =	simm.s32 $0x80;
	[sflag:s2] =	ssyncset.done $0x0  }
.Ltmp0:
0x157: {  	s9 =	rddreg [dreg:$0x7];
	[sflag:s2] =	ssyncadd.s32 $0xFFFE8000;
	(pc) =	sbr.rel @p0 .LBB2_1-.Ltmp0, $4  }
0x158: {  	[hbm4b:s9+s3] =	stream.linear.scatter [tilespmem:s0], [sflag:$0x2], $0x18000, $0x38;
	[tilespmem:$0x18080] =	vst v63  }
0x159: {  	_ =	swait.ge [sflag:s7], $0x18000  }
0x15a: {  	[sflag:s7] =	ssyncset.done $0x0  }
0x15b: {  	s6 =	sadd.s32 $0xFFFFFFFF, s6;
	[sflag:s7] =	ssyncadd.s32 $0xFFFE8000  }
0x15c: {  	_ =	sfence.sel $0x180000  }
0x15d: {  	[bflag:$0x0] =	sbarrier.arrive $0xFFFF  }
0x15e: {  	_ =	strace $0x90000047  }
0x15f: {  	s0 =	stileid.u32;
	[bflag:$0x2] =	sbarrier.arrive $0xFFFF  }
0x160: {  	p0 =	sne.s32 s0, $0x0;
	s0 =	rddreg [dreg:$0x3]  }
0x161: {  	s0 =	sadd.s32 @!p0 $0x100000, s0  }
0x162: {  	[sflag:s0] =	ssyncadd.tile.s32 @!p0 $0x1;
	_ =	shalt  }
.Lfunc_end2:
_tile_overlayer_lowered:
.L_overlay_start_2:
0x163: {  	(tag) =	ssettag $0x2  }
0x164: {  	s0 =	rddreg [dreg:$0x0];
	s2 =	stileid.u32  }
0x165: {  	s1 =	rddreg [dreg:$0x1];
	p0 =	sne.s32 s2, $0x0  }
0x166: {  	s3 =	rddreg [dreg:$0x2];
	[bflag:$0x3] =	sbarrier.arrive $0xFFFF;
	s2 =	simm.s32 @!p0 $0x1C02  }
0x167: {  	[timem:s3], [sflag:s2] =	dma.local @!p0 [hbm:s0], s1  }
0x168: {  	s0 =	simm.s32 @!p0 $0x2  }
0x169: {  	_ =	swait.ge @!p0 [sflag:s0], s1  }
0x16a: {  	s1 =	ssub.s32 @!p0 $0x0, s1;
	[sflag:s0] =	ssyncset.done @!p0 $0x0  }
0x16b: {  	[sflag:s0] =	ssyncadd.s32 @!p0 s1  }
0x16c: {  	[bflag:$0x3] =	sbarrier.arrive $0xFFFF  }
0x16d: {  	_ =	shalt  }

</sc_bundles>
